<compile_context>
chip_gen: v7x
topology: tpu7x:2x2x1
jax: 0.10.2.dev20260603
libtpu: 0.0.44.dev20260713+nightly
codegen_flags: <defaults>
</compile_context>

<pallas_src>
import functools

import jax
import jax.numpy as jnp
from jax import lax
from jax.experimental import pallas as pl
from jax.experimental.pallas import tpu as pltpu
from jax.experimental.pallas import tpu_sc as plsc


def _sc_gather3(state_emb, act_emb_self, act_emb_other, sidx, aidx, oidx):
    B = sidx.shape[0]
    D = state_emb.shape[1]
    NA = act_emb_self.shape[0]
    info = plsc.get_sparse_core_info()
    NC, NS = info.num_cores, info.num_subcores
    NW = NC * NS
    assert B % (16 * NW) == 0
    b_per_w = B // NW
    ch = b_per_w // 2

    mesh = plsc.VectorSubcoreMesh(core_axis_name="c", subcore_axis_name="s")
    row_t = jax.ShapeDtypeStruct((B, D), jnp.float32)

    @functools.partial(
        pl.kernel,
        mesh=mesh,
        out_type=[row_t, row_t, row_t],
        scratch_types=[
            pltpu.VMEM((3 * b_per_w,), jnp.int32),
            pltpu.VMEM((ch, D), jnp.float32),
            pltpu.VMEM((ch, D), jnp.float32),
            pltpu.VMEM((ch, D), jnp.float32),
            pltpu.VMEM_SHARED((NA, D), jnp.float32),
            pltpu.VMEM_SHARED((NA, D), jnp.float32),
            pltpu.SemaphoreType.DMA,
            pltpu.SemaphoreType.DMA,
            pltpu.SemaphoreType.DMA,
            pltpu.SemaphoreType.DMA,
            pltpu.SemaphoreType.DMA,
            pltpu.SemaphoreType.DMA,
            pltpu.SemaphoreType.DMA,
            pltpu.SemaphoreType.DMA,
        ],
    )
    def gather_k(state_hbm, aself_hbm, aother_hbm, sidx_hbm, aidx_hbm,
                 oidx_hbm, out_s, out_a, out_o, idx_v, buf0, buf1, buf2,
                 sh_a, sh_o, g0, g1, g2, w0, w1, w2, isem, tsem):
        wid = lax.axis_index("s") * NC + lax.axis_index("c")
        base = wid * b_per_w

        idxs = [sidx_hbm, aidx_hbm, oidx_hbm]
        outs = [out_s, out_a, out_o]
        bufs = [buf0, buf1, buf2]
        gsems = [g0, g1, g2]
        wsems = [w0, w1, w2]

        sid = lax.axis_index("s")
        tcopies = [
            pltpu.make_async_copy(aself_hbm, sh_a, tsem),
            pltpu.make_async_copy(aother_hbm, sh_o, tsem),
        ]

        @pl.when(sid == 0)
        def _():
            for t in tcopies:
                t.start()

        icopies = [
            pltpu.make_async_copy(
                idxs[t].at[pl.ds(base, b_per_w)],
                idx_v.at[pl.ds(t * b_per_w, b_per_w)], isem)
            for t in range(3)
        ]
        for c in icopies:
            c.start()
        for c in icopies:
            c.wait()

        def make_gather(c):
            t, hh = c // 2, c % 2
            tbl = [state_hbm, sh_a, sh_o][t]
            return pltpu.make_async_copy(
                tbl.at[idx_v.at[pl.ds(t * b_per_w + hh * ch, ch)]],
                bufs[c % 3], gsems[c % 3])

        gathers = [None] * 6
        writes = [None] * 6
        for c in range(2):
            gathers[c] = make_gather(c)
            gathers[c].start()

        @pl.when(sid == 0)
        def _():
            for t in tcopies:
                t.wait()
        plsc.subcore_barrier()

        gathers[2] = make_gather(2)
        gathers[2].start()

        for c in range(6):
            t, hh = c // 2, c % 2
            gathers[c].wait()
            writes[c] = pltpu.make_async_copy(
                bufs[c % 3],
                outs[t].at[pl.ds(base + hh * ch, ch)], wsems[c % 3])
            writes[c].start()
            nc = c + 3
            if nc < 6:
                writes[c].wait()
                gathers[nc] = make_gather(nc)
                gathers[nc].start()

        for c in range(3, 6):
            writes[c].wait()

    return gather_k(state_emb, act_emb_self, act_emb_other, sidx, aidx, oidx)


def _tc_mlp(S, A, O, W1, b1, W2, b2, block_m):
    B, D = S.shape
    n_blocks = B // block_m

    def body(s_ref, a_ref, o_ref, w1_ref, b1_ref, w2_ref, b2_ref, out_ref):
        h = jnp.dot(s_ref[...], w1_ref[0:D, :],
                    preferred_element_type=jnp.float32)
        h = h + jnp.dot(a_ref[...], w1_ref[D:2 * D, :],
                        preferred_element_type=jnp.float32)
        h = h + jnp.dot(o_ref[...], w1_ref[2 * D:3 * D, :],
                        preferred_element_type=jnp.float32)
        h = jnp.maximum(h + b1_ref[...], 0.0)
        r = lax.dot_general(w2_ref[...], h, (((0,), (1,)), ((), ())),
                            preferred_element_type=jnp.float32)
        out_ref[...] = r + b2_ref[0]

    out = pl.pallas_call(
        body,
        grid=(n_blocks,),
        in_specs=[
            pl.BlockSpec((block_m, D), lambda i: (i, 0)),
            pl.BlockSpec((block_m, D), lambda i: (i, 0)),
            pl.BlockSpec((block_m, D), lambda i: (i, 0)),
            pl.BlockSpec((3 * D, D), lambda i: (0, 0)),
            pl.BlockSpec((1, D), lambda i: (0, 0)),
            pl.BlockSpec((D, 1), lambda i: (0, 0)),
            pl.BlockSpec(memory_space=pltpu.SMEM),
        ],
        out_specs=pl.BlockSpec((1, block_m), lambda i: (0, i)),
        out_shape=jax.ShapeDtypeStruct((1, B), jnp.float32),
        compiler_params=pltpu.CompilerParams(
            dimension_semantics=("arbitrary",),
        ),
    )(S, A, O, W1, b1, W2, b2)
    return out.reshape(B)


def kernel(state_indices, joint_actions, state_emb, act_emb_self,
           act_emb_other, W1, b1, W2, b2):
    sidx = state_indices.astype(jnp.int32)
    aidx = joint_actions[:, 0].astype(jnp.int32)
    oidx = joint_actions[:, 1].astype(jnp.int32)

    S, A, O = _sc_gather3(state_emb, act_emb_self, act_emb_other,
                          sidx, aidx, oidx)

    b1r = b1.reshape(1, -1)
    return _tc_mlp(S, A, O, W1, b1r, W2, b2, block_m=2048)

# --- scband reference (transcript-rebuilt; emitter-appended) ---
"""Pipeline reference for scband-joint-reward-network-31336081391724 (READ-ONLY COPY).

The authoritative reference and input builder live on the scoring server;
editing this copy changes nothing except your own understanding.
"""

import jax, jax.numpy as jnp
import numpy as np

NUM_STATES = 100000
NUM_ACTIONS = 1000
HIDDEN = 128
BATCH = 16384

def setup_inputs(seed: int = 0) -> dict:
    key = jax.random.key(seed)
    ks = jax.random.split(key, 10)
    state_indices = jax.random.randint(ks[0], (BATCH,), 0, NUM_STATES, dtype=jnp.int64 if jax.config.jax_enable_x64 else jnp.int32)
    joint_actions = jax.random.randint(ks[1], (BATCH, 2), 0, NUM_ACTIONS, dtype=jnp.int64 if jax.config.jax_enable_x64 else jnp.int32)
    state_emb = jax.random.normal(ks[2], (NUM_STATES, HIDDEN), dtype=jnp.float32) * 0.02
    act_emb_self = jax.random.normal(ks[3], (NUM_ACTIONS, HIDDEN), dtype=jnp.float32) * 0.02
    act_emb_other = jax.random.normal(ks[4], (NUM_ACTIONS, HIDDEN), dtype=jnp.float32) * 0.02
    W1 = jax.random.normal(ks[5], (HIDDEN * 3, HIDDEN), dtype=jnp.float32) * (1.0 / np.sqrt(HIDDEN * 3))
    b1 = jnp.zeros((HIDDEN,), dtype=jnp.float32)
    W2 = jax.random.normal(ks[6], (HIDDEN, 1), dtype=jnp.float32) * (1.0 / np.sqrt(HIDDEN))
    b2 = jnp.zeros((1,), dtype=jnp.float32)
    return {"state_indices": state_indices, "joint_actions": joint_actions,
            "state_emb": state_emb, "act_emb_self": act_emb_self, "act_emb_other": act_emb_other,
            "W1": W1, "b1": b1, "W2": W2, "b2": b2}

def reference(state_indices, joint_actions, state_emb, act_emb_self, act_emb_other, W1, b1, W2, b2):
    state_feat = jnp.take(state_emb, state_indices, axis=0)
    action_self = jnp.take(act_emb_self, joint_actions[..., 0], axis=0)
    action_other = jnp.take(act_emb_other, joint_actions[..., 1], axis=0)
    features = jnp.concatenate([state_feat, action_self, action_other], axis=-1)
    h = jax.nn.relu(features @ W1 + b1)
    reward = h @ W2 + b2
    return jnp.squeeze(reward, axis=-1)

if __name__ == "__main__":
    import jax
    _d = setup_inputs()
    print(jax.jit(kernel)(*tuple(_d.values())))

</pallas_src>

<mosaic_0001>
#map = affine_map<(d0, d1) -> (0, 0)>
#map1 = affine_map<(d0, d1) -> (0)>
module attributes {stable_mosaic.version = 14 : i64} {
  func.func @gather_k(%arg0: i32, %arg1: i32, %arg2: memref<100000x128xf32, #tpu.memory_space<hbm>>, %arg3: memref<1000x128xf32, #tpu.memory_space<hbm>>, %arg4: memref<1000x128xf32, #tpu.memory_space<hbm>>, %arg5: memref<16384xi32, #tpu.memory_space<hbm>>, %arg6: memref<16384xi32, #tpu.memory_space<hbm>>, %arg7: memref<16384xi32, #tpu.memory_space<hbm>>, %arg8: memref<16384x128xf32, #tpu.memory_space<hbm>>, %arg9: memref<16384x128xf32, #tpu.memory_space<hbm>>, %arg10: memref<16384x128xf32, #tpu.memory_space<hbm>>, %arg11: memref<1536xi32, #tpu.memory_space<vmem>>, %arg12: memref<256x128xf32, #tpu.memory_space<vmem>>, %arg13: memref<256x128xf32, #tpu.memory_space<vmem>>, %arg14: memref<256x128xf32, #tpu.memory_space<vmem>>, %arg15: memref<1000x128xf32, #tpu.memory_space<vmem_shared>>, %arg16: memref<1000x128xf32, #tpu.memory_space<vmem_shared>>, %arg17: memref<!tpu.dma_semaphore, #tpu.memory_space<semaphore_mem>>, %arg18: memref<!tpu.dma_semaphore, #tpu.memory_space<semaphore_mem>>, %arg19: memref<!tpu.dma_semaphore, #tpu.memory_space<semaphore_mem>>, %arg20: memref<!tpu.dma_semaphore, #tpu.memory_space<semaphore_mem>>, %arg21: memref<!tpu.dma_semaphore, #tpu.memory_space<semaphore_mem>>, %arg22: memref<!tpu.dma_semaphore, #tpu.memory_space<semaphore_mem>>, %arg23: memref<!tpu.dma_semaphore, #tpu.memory_space<semaphore_mem>>, %arg24: memref<!tpu.dma_semaphore, #tpu.memory_space<semaphore_mem>>) attributes {dimension_semantics = [#tpu.dimension_semantics<core_parallel>, #tpu.dimension_semantics<subcore_parallel>], iteration_bounds = array<i64: 2, 16>, scalar_prefetch = 0 : i64, scratch_operands = 14 : i64, tpu.core_type = #tpu.core_type<sc_vector_subcore>, window_params = [{transform_indices = #map}, {transform_indices = #map}, {transform_indices = #map}, {transform_indices = #map1}, {transform_indices = #map1}, {transform_indices = #map1}, {transform_indices = #map}, {transform_indices = #map}, {transform_indices = #map}]} {
    %mul3A = arith.constant 2 : i32
    %mul3A_0 = arith.muli %arg1, %mul3A : i32
    %add3A = arith.addi %mul3A_0, %arg0 : i32
    %mul3A_1 = arith.constant 512 : i32
    %mul3A_2 = arith.muli %add3A, %mul3A_1 : i32
    %eq3A = arith.constant 0 : i32
    %eq3A_3 = arith.cmpi eq, %arg1, %eq3A : i32
    %convert_element_type3A = arith.extui %eq3A_3 : i1 to i32
    %cond3A = arith.constant 0 : i32
    %cond3A_4 = arith.cmpi ne, %convert_element_type3A, %cond3A : i32
    scf.if %cond3A_4 {
      tpu.enqueue_dma source(%arg3 : memref<1000x128xf32, #tpu.memory_space<hbm>>) target(%arg15 : memref<1000x128xf32, #tpu.memory_space<vmem_shared>>) target_semaphore(%arg24 : memref<!tpu.dma_semaphore, #tpu.memory_space<semaphore_mem>>)
      tpu.enqueue_dma source(%arg4 : memref<1000x128xf32, #tpu.memory_space<hbm>>) target(%arg16 : memref<1000x128xf32, #tpu.memory_space<vmem_shared>>) target_semaphore(%arg24 : memref<!tpu.dma_semaphore, #tpu.memory_space<semaphore_mem>>)
    } else {
    }
    %dma_start3A = arith.constant 0 : i32
    %dma_start3A_5 = tpu.memref_slice %arg11[%dma_start3A] : memref<1536xi32, #tpu.memory_space<vmem>> -> memref<512xi32, #tpu.memory_space<vmem>>
    %dma_start3A_6 = tpu.memref_slice %arg5[%mul3A_2] : memref<16384xi32, #tpu.memory_space<hbm>> -> memref<512xi32, #tpu.memory_space<hbm>>
    %dma_start3A_7 = arith.constant 0 : i32
    %dma_start3A_8 = tpu.memref_slice %arg11[%dma_start3A_7] : memref<1536xi32, #tpu.memory_space<vmem>> -> memref<512xi32, #tpu.memory_space<vmem>>
    %dma_start3A_9 = tpu.memref_slice %arg5[%mul3A_2] : memref<16384xi32, #tpu.memory_space<hbm>> -> memref<512xi32, #tpu.memory_space<hbm>>
    tpu.enqueue_dma source(%dma_start3A_9 : memref<512xi32, #tpu.memory_space<hbm>>) target(%dma_start3A_8 : memref<512xi32, #tpu.memory_space<vmem>>) target_semaphore(%arg23 : memref<!tpu.dma_semaphore, #tpu.memory_space<semaphore_mem>>)
    %dma_start3A_10 = arith.constant 512 : i32
    %dma_start3A_11 = tpu.memref_slice %arg11[%dma_start3A_10] : memref<1536xi32, #tpu.memory_space<vmem>> -> memref<512xi32, #tpu.memory_space<vmem>>
    %dma_start3A_12 = tpu.memref_slice %arg6[%mul3A_2] : memref<16384xi32, #tpu.memory_space<hbm>> -> memref<512xi32, #tpu.memory_space<hbm>>
    %dma_start3A_13 = arith.constant 512 : i32
    %dma_start3A_14 = tpu.memref_slice %arg11[%dma_start3A_13] : memref<1536xi32, #tpu.memory_space<vmem>> -> memref<512xi32, #tpu.memory_space<vmem>>
    %dma_start3A_15 = tpu.memref_slice %arg6[%mul3A_2] : memref<16384xi32, #tpu.memory_space<hbm>> -> memref<512xi32, #tpu.memory_space<hbm>>
    tpu.enqueue_dma source(%dma_start3A_15 : memref<512xi32, #tpu.memory_space<hbm>>) target(%dma_start3A_14 : memref<512xi32, #tpu.memory_space<vmem>>) target_semaphore(%arg23 : memref<!tpu.dma_semaphore, #tpu.memory_space<semaphore_mem>>)
    %dma_start3A_16 = arith.constant 1024 : i32
    %dma_start3A_17 = tpu.memref_slice %arg11[%dma_start3A_16] : memref<1536xi32, #tpu.memory_space<vmem>> -> memref<512xi32, #tpu.memory_space<vmem>>
    %dma_start3A_18 = tpu.memref_slice %arg7[%mul3A_2] : memref<16384xi32, #tpu.memory_space<hbm>> -> memref<512xi32, #tpu.memory_space<hbm>>
    %dma_start3A_19 = arith.constant 1024 : i32
    %dma_start3A_20 = tpu.memref_slice %arg11[%dma_start3A_19] : memref<1536xi32, #tpu.memory_space<vmem>> -> memref<512xi32, #tpu.memory_space<vmem>>
    %dma_start3A_21 = tpu.memref_slice %arg7[%mul3A_2] : memref<16384xi32, #tpu.memory_space<hbm>> -> memref<512xi32, #tpu.memory_space<hbm>>
    tpu.enqueue_dma source(%dma_start3A_21 : memref<512xi32, #tpu.memory_space<hbm>>) target(%dma_start3A_20 : memref<512xi32, #tpu.memory_space<vmem>>) target_semaphore(%arg23 : memref<!tpu.dma_semaphore, #tpu.memory_space<semaphore_mem>>)
    %dma_wait3A = arith.constant 0 : i32
    %dma_wait3A_22 = tpu.memref_slice %arg11[%dma_wait3A] : memref<1536xi32, #tpu.memory_space<vmem>> -> memref<512xi32, #tpu.memory_space<vmem>>
    %dma_wait3A_23 = tpu.memref_slice %arg5[%mul3A_2] : memref<16384xi32, #tpu.memory_space<hbm>> -> memref<512xi32, #tpu.memory_space<hbm>>
    %dma_wait3A_24 = arith.constant 0 : i32
    %dma_wait3A_25 = tpu.memref_slice %arg11[%dma_wait3A_24] : memref<1536xi32, #tpu.memory_space<vmem>> -> memref<512xi32, #tpu.memory_space<vmem>>
    %dma_wait3A_26 = tpu.memref_slice %arg5[%mul3A_2] : memref<16384xi32, #tpu.memory_space<hbm>> -> memref<512xi32, #tpu.memory_space<hbm>>
    tpu.wait_dma2 semaphore(%arg23 : memref<!tpu.dma_semaphore, #tpu.memory_space<semaphore_mem>>) src(%dma_wait3A_26 : memref<512xi32, #tpu.memory_space<hbm>>) dst(%dma_wait3A_25 : memref<512xi32, #tpu.memory_space<vmem>>)
    %dma_wait3A_27 = arith.constant 512 : i32
    %dma_wait3A_28 = tpu.memref_slice %arg11[%dma_wait3A_27] : memref<1536xi32, #tpu.memory_space<vmem>> -> memref<512xi32, #tpu.memory_space<vmem>>
    %dma_wait3A_29 = tpu.memref_slice %arg6[%mul3A_2] : memref<16384xi32, #tpu.memory_space<hbm>> -> memref<512xi32, #tpu.memory_space<hbm>>
    %dma_wait3A_30 = arith.constant 512 : i32
    %dma_wait3A_31 = tpu.memref_slice %arg11[%dma_wait3A_30] : memref<1536xi32, #tpu.memory_space<vmem>> -> memref<512xi32, #tpu.memory_space<vmem>>
    %dma_wait3A_32 = tpu.memref_slice %arg6[%mul3A_2] : memref<16384xi32, #tpu.memory_space<hbm>> -> memref<512xi32, #tpu.memory_space<hbm>>
    tpu.wait_dma2 semaphore(%arg23 : memref<!tpu.dma_semaphore, #tpu.memory_space<semaphore_mem>>) src(%dma_wait3A_32 : memref<512xi32, #tpu.memory_space<hbm>>) dst(%dma_wait3A_31 : memref<512xi32, #tpu.memory_space<vmem>>)
    %dma_wait3A_33 = arith.constant 1024 : i32
    %dma_wait3A_34 = tpu.memref_slice %arg11[%dma_wait3A_33] : memref<1536xi32, #tpu.memory_space<vmem>> -> memref<512xi32, #tpu.memory_space<vmem>>
    %dma_wait3A_35 = tpu.memref_slice %arg7[%mul3A_2] : memref<16384xi32, #tpu.memory_space<hbm>> -> memref<512xi32, #tpu.memory_space<hbm>>
    %dma_wait3A_36 = arith.constant 1024 : i32
    %dma_wait3A_37 = tpu.memref_slice %arg11[%dma_wait3A_36] : memref<1536xi32, #tpu.memory_space<vmem>> -> memref<512xi32, #tpu.memory_space<vmem>>
    %dma_wait3A_38 = tpu.memref_slice %arg7[%mul3A_2] : memref<16384xi32, #tpu.memory_space<hbm>> -> memref<512xi32, #tpu.memory_space<hbm>>
    tpu.wait_dma2 semaphore(%arg23 : memref<!tpu.dma_semaphore, #tpu.memory_space<semaphore_mem>>) src(%dma_wait3A_38 : memref<512xi32, #tpu.memory_space<hbm>>) dst(%dma_wait3A_37 : memref<512xi32, #tpu.memory_space<vmem>>)
    %dma_start3A_39 = arith.constant 0 : i32
    %dma_start3A_40 = tpu.memref_slice %arg11[%dma_start3A_39] : memref<1536xi32, #tpu.memory_space<vmem>> -> memref<256xi32, #tpu.memory_space<vmem>>
    %dma_start3A_41 = arith.constant 0 : i32
    %dma_start3A_42 = arith.constant 0 : i32
    %dma_start3A_43 = tpu.memref_slice %arg2[%dma_start3A_41, %dma_start3A_42] : memref<100000x128xf32, #tpu.memory_space<hbm>> -> memref<100000x128xf32, #tpu.memory_space<hbm>>
    tpu.enqueue_indirect_dma source(%dma_start3A_43 : memref<100000x128xf32, #tpu.memory_space<hbm>>) target(%arg12 : memref<256x128xf32, #tpu.memory_space<vmem>>) offsets(%dma_start3A_40 : memref<256xi32, #tpu.memory_space<vmem>>) semaphore(%arg17 : memref<!tpu.dma_semaphore, #tpu.memory_space<semaphore_mem>>)
    %dma_start3A_44 = arith.constant 256 : i32
    %dma_start3A_45 = tpu.memref_slice %arg11[%dma_start3A_44] : memref<1536xi32, #tpu.memory_space<vmem>> -> memref<256xi32, #tpu.memory_space<vmem>>
    %dma_start3A_46 = arith.constant 0 : i32
    %dma_start3A_47 = arith.constant 0 : i32
    %dma_start3A_48 = tpu.memref_slice %arg2[%dma_start3A_46, %dma_start3A_47] : memref<100000x128xf32, #tpu.memory_space<hbm>> -> memref<100000x128xf32, #tpu.memory_space<hbm>>
    tpu.enqueue_indirect_dma source(%dma_start3A_48 : memref<100000x128xf32, #tpu.memory_space<hbm>>) target(%arg13 : memref<256x128xf32, #tpu.memory_space<vmem>>) offsets(%dma_start3A_45 : memref<256xi32, #tpu.memory_space<vmem>>) semaphore(%arg18 : memref<!tpu.dma_semaphore, #tpu.memory_space<semaphore_mem>>)
    %eq3A_49 = arith.constant 0 : i32
    %eq3A_50 = arith.cmpi eq, %arg1, %eq3A_49 : i32
    %convert_element_type3A_51 = arith.extui %eq3A_50 : i1 to i32
    %cond3A_52 = arith.constant 0 : i32
    %cond3A_53 = arith.cmpi ne, %convert_element_type3A_51, %cond3A_52 : i32
    scf.if %cond3A_53 {
      tpu.wait_dma2 semaphore(%arg24 : memref<!tpu.dma_semaphore, #tpu.memory_space<semaphore_mem>>) src(%arg3 : memref<1000x128xf32, #tpu.memory_space<hbm>>) dst(%arg15 : memref<1000x128xf32, #tpu.memory_space<vmem_shared>>)
      tpu.wait_dma2 semaphore(%arg24 : memref<!tpu.dma_semaphore, #tpu.memory_space<semaphore_mem>>) src(%arg4 : memref<1000x128xf32, #tpu.memory_space<hbm>>) dst(%arg16 : memref<1000x128xf32, #tpu.memory_space<vmem_shared>>)
    } else {
    }
    %barrier3A = arith.constant 0 : index
    tpu.barrier barrier_id(%barrier3A)
    %dma_start3A_54 = arith.constant 512 : i32
    %dma_start3A_55 = tpu.memref_slice %arg11[%dma_start3A_54] : memref<1536xi32, #tpu.memory_space<vmem>> -> memref<256xi32, #tpu.memory_space<vmem>>
    %dma_start3A_56 = arith.constant 0 : i32
    %dma_start3A_57 = arith.constant 0 : i32
    %dma_start3A_58 = tpu.memref_slice %arg15[%dma_start3A_56, %dma_start3A_57] : memref<1000x128xf32, #tpu.memory_space<vmem_shared>> -> memref<1000x128xf32, #tpu.memory_space<vmem_shared>>
    tpu.enqueue_indirect_dma source(%dma_start3A_58 : memref<1000x128xf32, #tpu.memory_space<vmem_shared>>) target(%arg14 : memref<256x128xf32, #tpu.memory_space<vmem>>) offsets(%dma_start3A_55 : memref<256xi32, #tpu.memory_space<vmem>>) semaphore(%arg19 : memref<!tpu.dma_semaphore, #tpu.memory_space<semaphore_mem>>)
    %dma_wait3A_59 = arith.constant 0 : i32
    %dma_wait3A_60 = tpu.memref_slice %arg11[%dma_wait3A_59] : memref<1536xi32, #tpu.memory_space<vmem>> -> memref<256xi32, #tpu.memory_space<vmem>>
    %dma_wait3A_61 = arith.constant 0 : i32
    %dma_wait3A_62 = arith.constant 0 : i32
    %dma_wait3A_63 = tpu.memref_slice %arg2[%dma_wait3A_61, %dma_wait3A_62] : memref<100000x128xf32, #tpu.memory_space<hbm>> -> memref<100000x128xf32, #tpu.memory_space<hbm>>
    tpu.wait_indirect_dma semaphore(%arg17 : memref<!tpu.dma_semaphore, #tpu.memory_space<semaphore_mem>>) src(%dma_wait3A_63 : memref<100000x128xf32, #tpu.memory_space<hbm>>) dst(%arg12 : memref<256x128xf32, #tpu.memory_space<vmem>>)
    %add3A_64 = arith.constant 0 : i32
    %add3A_65 = arith.addi %mul3A_2, %add3A_64 : i32
    %dma_start3A_66 = arith.constant 0 : i32
    %dma_start3A_67 = tpu.memref_slice %arg8[%add3A_65, %dma_start3A_66] : memref<16384x128xf32, #tpu.memory_space<hbm>> -> memref<256x128xf32, #tpu.memory_space<hbm>>
    %dma_start3A_68 = arith.constant 0 : i32
    %dma_start3A_69 = tpu.memref_slice %arg8[%add3A_65, %dma_start3A_68] : memref<16384x128xf32, #tpu.memory_space<hbm>> -> memref<256x128xf32, #tpu.memory_space<hbm>>
    tpu.enqueue_dma source(%arg12 : memref<256x128xf32, #tpu.memory_space<vmem>>) target(%dma_start3A_69 : memref<256x128xf32, #tpu.memory_space<hbm>>) target_semaphore(%arg20 : memref<!tpu.dma_semaphore, #tpu.memory_space<semaphore_mem>>)
    %dma_wait3A_70 = arith.constant 0 : i32
    %dma_wait3A_71 = tpu.memref_slice %arg8[%add3A_65, %dma_wait3A_70] : memref<16384x128xf32, #tpu.memory_space<hbm>> -> memref<256x128xf32, #tpu.memory_space<hbm>>
    %dma_wait3A_72 = arith.constant 0 : i32
    %dma_wait3A_73 = tpu.memref_slice %arg8[%add3A_65, %dma_wait3A_72] : memref<16384x128xf32, #tpu.memory_space<hbm>> -> memref<256x128xf32, #tpu.memory_space<hbm>>
    tpu.wait_dma2 semaphore(%arg20 : memref<!tpu.dma_semaphore, #tpu.memory_space<semaphore_mem>>) src(%arg12 : memref<256x128xf32, #tpu.memory_space<vmem>>) dst(%dma_wait3A_73 : memref<256x128xf32, #tpu.memory_space<hbm>>)
    %dma_start3A_74 = arith.constant 768 : i32
    %dma_start3A_75 = tpu.memref_slice %arg11[%dma_start3A_74] : memref<1536xi32, #tpu.memory_space<vmem>> -> memref<256xi32, #tpu.memory_space<vmem>>
    %dma_start3A_76 = arith.constant 0 : i32
    %dma_start3A_77 = arith.constant 0 : i32
    %dma_start3A_78 = tpu.memref_slice %arg15[%dma_start3A_76, %dma_start3A_77] : memref<1000x128xf32, #tpu.memory_space<vmem_shared>> -> memref<1000x128xf32, #tpu.memory_space<vmem_shared>>
    tpu.enqueue_indirect_dma source(%dma_start3A_78 : memref<1000x128xf32, #tpu.memory_space<vmem_shared>>) target(%arg12 : memref<256x128xf32, #tpu.memory_space<vmem>>) offsets(%dma_start3A_75 : memref<256xi32, #tpu.memory_space<vmem>>) semaphore(%arg17 : memref<!tpu.dma_semaphore, #tpu.memory_space<semaphore_mem>>)
    %dma_wait3A_79 = arith.constant 256 : i32
    %dma_wait3A_80 = tpu.memref_slice %arg11[%dma_wait3A_79] : memref<1536xi32, #tpu.memory_space<vmem>> -> memref<256xi32, #tpu.memory_space<vmem>>
    %dma_wait3A_81 = arith.constant 0 : i32
    %dma_wait3A_82 = arith.constant 0 : i32
    %dma_wait3A_83 = tpu.memref_slice %arg2[%dma_wait3A_81, %dma_wait3A_82] : memref<100000x128xf32, #tpu.memory_space<hbm>> -> memref<100000x128xf32, #tpu.memory_space<hbm>>
    tpu.wait_indirect_dma semaphore(%arg18 : memref<!tpu.dma_semaphore, #tpu.memory_space<semaphore_mem>>) src(%dma_wait3A_83 : memref<100000x128xf32, #tpu.memory_space<hbm>>) dst(%arg13 : memref<256x128xf32, #tpu.memory_space<vmem>>)
    %add3A_84 = arith.constant 256 : i32
    %add3A_85 = arith.addi %mul3A_2, %add3A_84 : i32
    %dma_start3A_86 = arith.constant 0 : i32
    %dma_start3A_87 = tpu.memref_slice %arg8[%add3A_85, %dma_start3A_86] : memref<16384x128xf32, #tpu.memory_space<hbm>> -> memref<256x128xf32, #tpu.memory_space<hbm>>
    %dma_start3A_88 = arith.constant 0 : i32
    %dma_start3A_89 = tpu.memref_slice %arg8[%add3A_85, %dma_start3A_88] : memref<16384x128xf32, #tpu.memory_space<hbm>> -> memref<256x128xf32, #tpu.memory_space<hbm>>
    tpu.enqueue_dma source(%arg13 : memref<256x128xf32, #tpu.memory_space<vmem>>) target(%dma_start3A_89 : memref<256x128xf32, #tpu.memory_space<hbm>>) target_semaphore(%arg21 : memref<!tpu.dma_semaphore, #tpu.memory_space<semaphore_mem>>)
    %dma_wait3A_90 = arith.constant 0 : i32
    %dma_wait3A_91 = tpu.memref_slice %arg8[%add3A_85, %dma_wait3A_90] : memref<16384x128xf32, #tpu.memory_space<hbm>> -> memref<256x128xf32, #tpu.memory_space<hbm>>
    %dma_wait3A_92 = arith.constant 0 : i32
    %dma_wait3A_93 = tpu.memref_slice %arg8[%add3A_85, %dma_wait3A_92] : memref<16384x128xf32, #tpu.memory_space<hbm>> -> memref<256x128xf32, #tpu.memory_space<hbm>>
    tpu.wait_dma2 semaphore(%arg21 : memref<!tpu.dma_semaphore, #tpu.memory_space<semaphore_mem>>) src(%arg13 : memref<256x128xf32, #tpu.memory_space<vmem>>) dst(%dma_wait3A_93 : memref<256x128xf32, #tpu.memory_space<hbm>>)
    %dma_start3A_94 = arith.constant 1024 : i32
    %dma_start3A_95 = tpu.memref_slice %arg11[%dma_start3A_94] : memref<1536xi32, #tpu.memory_space<vmem>> -> memref<256xi32, #tpu.memory_space<vmem>>
    %dma_start3A_96 = arith.constant 0 : i32
    %dma_start3A_97 = arith.constant 0 : i32
    %dma_start3A_98 = tpu.memref_slice %arg16[%dma_start3A_96, %dma_start3A_97] : memref<1000x128xf32, #tpu.memory_space<vmem_shared>> -> memref<1000x128xf32, #tpu.memory_space<vmem_shared>>
    tpu.enqueue_indirect_dma source(%dma_start3A_98 : memref<1000x128xf32, #tpu.memory_space<vmem_shared>>) target(%arg13 : memref<256x128xf32, #tpu.memory_space<vmem>>) offsets(%dma_start3A_95 : memref<256xi32, #tpu.memory_space<vmem>>) semaphore(%arg18 : memref<!tpu.dma_semaphore, #tpu.memory_space<semaphore_mem>>)
    %dma_wait3A_99 = arith.constant 512 : i32
    %dma_wait3A_100 = tpu.memref_slice %arg11[%dma_wait3A_99] : memref<1536xi32, #tpu.memory_space<vmem>> -> memref<256xi32, #tpu.memory_space<vmem>>
    %dma_wait3A_101 = arith.constant 0 : i32
    %dma_wait3A_102 = arith.constant 0 : i32
    %dma_wait3A_103 = tpu.memref_slice %arg15[%dma_wait3A_101, %dma_wait3A_102] : memref<1000x128xf32, #tpu.memory_space<vmem_shared>> -> memref<1000x128xf32, #tpu.memory_space<vmem_shared>>
    tpu.wait_indirect_dma semaphore(%arg19 : memref<!tpu.dma_semaphore, #tpu.memory_space<semaphore_mem>>) src(%dma_wait3A_103 : memref<1000x128xf32, #tpu.memory_space<vmem_shared>>) dst(%arg14 : memref<256x128xf32, #tpu.memory_space<vmem>>)
    %add3A_104 = arith.constant 0 : i32
    %add3A_105 = arith.addi %mul3A_2, %add3A_104 : i32
    %dma_start3A_106 = arith.constant 0 : i32
    %dma_start3A_107 = tpu.memref_slice %arg9[%add3A_105, %dma_start3A_106] : memref<16384x128xf32, #tpu.memory_space<hbm>> -> memref<256x128xf32, #tpu.memory_space<hbm>>
    %dma_start3A_108 = arith.constant 0 : i32
    %dma_start3A_109 = tpu.memref_slice %arg9[%add3A_105, %dma_start3A_108] : memref<16384x128xf32, #tpu.memory_space<hbm>> -> memref<256x128xf32, #tpu.memory_space<hbm>>
    tpu.enqueue_dma source(%arg14 : memref<256x128xf32, #tpu.memory_space<vmem>>) target(%dma_start3A_109 : memref<256x128xf32, #tpu.memory_space<hbm>>) target_semaphore(%arg22 : memref<!tpu.dma_semaphore, #tpu.memory_space<semaphore_mem>>)
    %dma_wait3A_110 = arith.constant 0 : i32
    %dma_wait3A_111 = tpu.memref_slice %arg9[%add3A_105, %dma_wait3A_110] : memref<16384x128xf32, #tpu.memory_space<hbm>> -> memref<256x128xf32, #tpu.memory_space<hbm>>
    %dma_wait3A_112 = arith.constant 0 : i32
    %dma_wait3A_113 = tpu.memref_slice %arg9[%add3A_105, %dma_wait3A_112] : memref<16384x128xf32, #tpu.memory_space<hbm>> -> memref<256x128xf32, #tpu.memory_space<hbm>>
    tpu.wait_dma2 semaphore(%arg22 : memref<!tpu.dma_semaphore, #tpu.memory_space<semaphore_mem>>) src(%arg14 : memref<256x128xf32, #tpu.memory_space<vmem>>) dst(%dma_wait3A_113 : memref<256x128xf32, #tpu.memory_space<hbm>>)
    %dma_start3A_114 = arith.constant 1280 : i32
    %dma_start3A_115 = tpu.memref_slice %arg11[%dma_start3A_114] : memref<1536xi32, #tpu.memory_space<vmem>> -> memref<256xi32, #tpu.memory_space<vmem>>
    %dma_start3A_116 = arith.constant 0 : i32
    %dma_start3A_117 = arith.constant 0 : i32
    %dma_start3A_118 = tpu.memref_slice %arg16[%dma_start3A_116, %dma_start3A_117] : memref<1000x128xf32, #tpu.memory_space<vmem_shared>> -> memref<1000x128xf32, #tpu.memory_space<vmem_shared>>
    tpu.enqueue_indirect_dma source(%dma_start3A_118 : memref<1000x128xf32, #tpu.memory_space<vmem_shared>>) target(%arg14 : memref<256x128xf32, #tpu.memory_space<vmem>>) offsets(%dma_start3A_115 : memref<256xi32, #tpu.memory_space<vmem>>) semaphore(%arg19 : memref<!tpu.dma_semaphore, #tpu.memory_space<semaphore_mem>>)
    %dma_wait3A_119 = arith.constant 768 : i32
    %dma_wait3A_120 = tpu.memref_slice %arg11[%dma_wait3A_119] : memref<1536xi32, #tpu.memory_space<vmem>> -> memref<256xi32, #tpu.memory_space<vmem>>
    %dma_wait3A_121 = arith.constant 0 : i32
    %dma_wait3A_122 = arith.constant 0 : i32
    %dma_wait3A_123 = tpu.memref_slice %arg15[%dma_wait3A_121, %dma_wait3A_122] : memref<1000x128xf32, #tpu.memory_space<vmem_shared>> -> memref<1000x128xf32, #tpu.memory_space<vmem_shared>>
    tpu.wait_indirect_dma semaphore(%arg17 : memref<!tpu.dma_semaphore, #tpu.memory_space<semaphore_mem>>) src(%dma_wait3A_123 : memref<1000x128xf32, #tpu.memory_space<vmem_shared>>) dst(%arg12 : memref<256x128xf32, #tpu.memory_space<vmem>>)
    %add3A_124 = arith.constant 256 : i32
    %add3A_125 = arith.addi %mul3A_2, %add3A_124 : i32
    %dma_start3A_126 = arith.constant 0 : i32
    %dma_start3A_127 = tpu.memref_slice %arg9[%add3A_125, %dma_start3A_126] : memref<16384x128xf32, #tpu.memory_space<hbm>> -> memref<256x128xf32, #tpu.memory_space<hbm>>
    %dma_start3A_128 = arith.constant 0 : i32
    %dma_start3A_129 = tpu.memref_slice %arg9[%add3A_125, %dma_start3A_128] : memref<16384x128xf32, #tpu.memory_space<hbm>> -> memref<256x128xf32, #tpu.memory_space<hbm>>
    tpu.enqueue_dma source(%arg12 : memref<256x128xf32, #tpu.memory_space<vmem>>) target(%dma_start3A_129 : memref<256x128xf32, #tpu.memory_space<hbm>>) target_semaphore(%arg20 : memref<!tpu.dma_semaphore, #tpu.memory_space<semaphore_mem>>)
    %dma_wait3A_130 = arith.constant 1024 : i32
    %dma_wait3A_131 = tpu.memref_slice %arg11[%dma_wait3A_130] : memref<1536xi32, #tpu.memory_space<vmem>> -> memref<256xi32, #tpu.memory_space<vmem>>
    %dma_wait3A_132 = arith.constant 0 : i32
    %dma_wait3A_133 = arith.constant 0 : i32
    %dma_wait3A_134 = tpu.memref_slice %arg16[%dma_wait3A_132, %dma_wait3A_133] : memref<1000x128xf32, #tpu.memory_space<vmem_shared>> -> memref<1000x128xf32, #tpu.memory_space<vmem_shared>>
    tpu.wait_indirect_dma semaphore(%arg18 : memref<!tpu.dma_semaphore, #tpu.memory_space<semaphore_mem>>) src(%dma_wait3A_134 : memref<1000x128xf32, #tpu.memory_space<vmem_shared>>) dst(%arg13 : memref<256x128xf32, #tpu.memory_space<vmem>>)
    %add3A_135 = arith.constant 0 : i32
    %add3A_136 = arith.addi %mul3A_2, %add3A_135 : i32
    %dma_start3A_137 = arith.constant 0 : i32
    %dma_start3A_138 = tpu.memref_slice %arg10[%add3A_136, %dma_start3A_137] : memref<16384x128xf32, #tpu.memory_space<hbm>> -> memref<256x128xf32, #tpu.memory_space<hbm>>
    %dma_start3A_139 = arith.constant 0 : i32
    %dma_start3A_140 = tpu.memref_slice %arg10[%add3A_136, %dma_start3A_139] : memref<16384x128xf32, #tpu.memory_space<hbm>> -> memref<256x128xf32, #tpu.memory_space<hbm>>
    tpu.enqueue_dma source(%arg13 : memref<256x128xf32, #tpu.memory_space<vmem>>) target(%dma_start3A_140 : memref<256x128xf32, #tpu.memory_space<hbm>>) target_semaphore(%arg21 : memref<!tpu.dma_semaphore, #tpu.memory_space<semaphore_mem>>)
    %dma_wait3A_141 = arith.constant 1280 : i32
    %dma_wait3A_142 = tpu.memref_slice %arg11[%dma_wait3A_141] : memref<1536xi32, #tpu.memory_space<vmem>> -> memref<256xi32, #tpu.memory_space<vmem>>
    %dma_wait3A_143 = arith.constant 0 : i32
    %dma_wait3A_144 = arith.constant 0 : i32
    %dma_wait3A_145 = tpu.memref_slice %arg16[%dma_wait3A_143, %dma_wait3A_144] : memref<1000x128xf32, #tpu.memory_space<vmem_shared>> -> memref<1000x128xf32, #tpu.memory_space<vmem_shared>>
    tpu.wait_indirect_dma semaphore(%arg19 : memref<!tpu.dma_semaphore, #tpu.memory_space<semaphore_mem>>) src(%dma_wait3A_145 : memref<1000x128xf32, #tpu.memory_space<vmem_shared>>) dst(%arg14 : memref<256x128xf32, #tpu.memory_space<vmem>>)
    %add3A_146 = arith.constant 256 : i32
    %add3A_147 = arith.addi %mul3A_2, %add3A_146 : i32
    %dma_start3A_148 = arith.constant 0 : i32
    %dma_start3A_149 = tpu.memref_slice %arg10[%add3A_147, %dma_start3A_148] : memref<16384x128xf32, #tpu.memory_space<hbm>> -> memref<256x128xf32, #tpu.memory_space<hbm>>
    %dma_start3A_150 = arith.constant 0 : i32
    %dma_start3A_151 = tpu.memref_slice %arg10[%add3A_147, %dma_start3A_150] : memref<16384x128xf32, #tpu.memory_space<hbm>> -> memref<256x128xf32, #tpu.memory_space<hbm>>
    tpu.enqueue_dma source(%arg14 : memref<256x128xf32, #tpu.memory_space<vmem>>) target(%dma_start3A_151 : memref<256x128xf32, #tpu.memory_space<hbm>>) target_semaphore(%arg22 : memref<!tpu.dma_semaphore, #tpu.memory_space<semaphore_mem>>)
    %dma_wait3A_152 = arith.constant 0 : i32
    %dma_wait3A_153 = tpu.memref_slice %arg9[%add3A_125, %dma_wait3A_152] : memref<16384x128xf32, #tpu.memory_space<hbm>> -> memref<256x128xf32, #tpu.memory_space<hbm>>
    %dma_wait3A_154 = arith.constant 0 : i32
    %dma_wait3A_155 = tpu.memref_slice %arg9[%add3A_125, %dma_wait3A_154] : memref<16384x128xf32, #tpu.memory_space<hbm>> -> memref<256x128xf32, #tpu.memory_space<hbm>>
    tpu.wait_dma2 semaphore(%arg20 : memref<!tpu.dma_semaphore, #tpu.memory_space<semaphore_mem>>) src(%arg12 : memref<256x128xf32, #tpu.memory_space<vmem>>) dst(%dma_wait3A_155 : memref<256x128xf32, #tpu.memory_space<hbm>>)
    %dma_wait3A_156 = arith.constant 0 : i32
    %dma_wait3A_157 = tpu.memref_slice %arg10[%add3A_136, %dma_wait3A_156] : memref<16384x128xf32, #tpu.memory_space<hbm>> -> memref<256x128xf32, #tpu.memory_space<hbm>>
    %dma_wait3A_158 = arith.constant 0 : i32
    %dma_wait3A_159 = tpu.memref_slice %arg10[%add3A_136, %dma_wait3A_158] : memref<16384x128xf32, #tpu.memory_space<hbm>> -> memref<256x128xf32, #tpu.memory_space<hbm>>
    tpu.wait_dma2 semaphore(%arg21 : memref<!tpu.dma_semaphore, #tpu.memory_space<semaphore_mem>>) src(%arg13 : memref<256x128xf32, #tpu.memory_space<vmem>>) dst(%dma_wait3A_159 : memref<256x128xf32, #tpu.memory_space<hbm>>)
    %dma_wait3A_160 = arith.constant 0 : i32
    %dma_wait3A_161 = tpu.memref_slice %arg10[%add3A_147, %dma_wait3A_160] : memref<16384x128xf32, #tpu.memory_space<hbm>> -> memref<256x128xf32, #tpu.memory_space<hbm>>
    %dma_wait3A_162 = arith.constant 0 : i32
    %dma_wait3A_163 = tpu.memref_slice %arg10[%add3A_147, %dma_wait3A_162] : memref<16384x128xf32, #tpu.memory_space<hbm>> -> memref<256x128xf32, #tpu.memory_space<hbm>>
    tpu.wait_dma2 semaphore(%arg22 : memref<!tpu.dma_semaphore, #tpu.memory_space<semaphore_mem>>) src(%arg14 : memref<256x128xf32, #tpu.memory_space<vmem>>) dst(%dma_wait3A_163 : memref<256x128xf32, #tpu.memory_space<hbm>>)
    return
  }
}

module attributes {stable_mosaic.version = 14 : i64} {
  func.func @body(%arg0: i32, %arg1: memref<2048x128xf32, #tpu.memory_space<vmem>>, %arg2: memref<2048x128xf32, #tpu.memory_space<vmem>>, %arg3: memref<2048x128xf32, #tpu.memory_space<vmem>>, %arg4: memref<384x128xf32, #tpu.memory_space<vmem>>, %arg5: memref<1x128xf32, #tpu.memory_space<vmem>>, %arg6: memref<128x1xf32, #tpu.memory_space<vmem>>, %arg7: memref<1xf32, #tpu.memory_space<smem>>, %arg8: memref<1x2048xf32, #tpu.memory_space<vmem>>) attributes {dimension_semantics = [#tpu.dimension_semantics<arbitrary>], iteration_bounds = array<i64: 8>, scalar_prefetch = 0 : i64, scratch_operands = 0 : i64, tpu.core_type = #tpu.core_type<tc>, window_params = [{transform_indices = @transform_0, window_bounds = array<i64: 2048, 128>}, {transform_indices = @transform_1, window_bounds = array<i64: 2048, 128>}, {transform_indices = @transform_2, window_bounds = array<i64: 2048, 128>}, {pipeline_mode = #tpu.pipeline_mode<synchronous>, transform_indices = @transform_3, window_bounds = array<i64: 384, 128>}, {pipeline_mode = #tpu.pipeline_mode<synchronous>, transform_indices = @transform_4, window_bounds = array<i64: 1, 128>}, {pipeline_mode = #tpu.pipeline_mode<synchronous>, transform_indices = @transform_5, window_bounds = array<i64: 128, 1>}, {transform_indices = @transform_6, window_bounds = array<i64: 1>}, {transform_indices = @transform_7, window_bounds = array<i64: 1, 2048>}]} {
    %get3A = arith.constant 0 : index
    %get3A_0 = arith.constant 0 : index
    %get3A_1 = vector.load %arg1[%get3A, %get3A_0] : memref<2048x128xf32, #tpu.memory_space<vmem>>, vector<2048x128xf32>
    %get3A_2 = arith.constant 0 : index
    %get3A_3 = arith.constant 0 : index
    %get3A_4 = vector.load %arg4[%get3A_2, %get3A_3] : memref<384x128xf32, #tpu.memory_space<vmem>>, vector<128x128xf32>
    %dot_general3A = arith.constant dense<0.000000e+00> : vector<2048x128xf32>
    %dot_general3A_5 = tpu.matmul %get3A_1, %get3A_4, %dot_general3A {dimension_numbers = #tpu.dot_dimension_numbers<[1], [0], [0], [1], [0, 0, 1, 1], [], []>, transpose_lhs_hint = false} : vector<2048x128xf32>, vector<128x128xf32>, vector<2048x128xf32> -> vector<2048x128xf32>
    %get3A_6 = arith.constant 0 : index
    %get3A_7 = arith.constant 0 : index
    %get3A_8 = vector.load %arg2[%get3A_6, %get3A_7] : memref<2048x128xf32, #tpu.memory_space<vmem>>, vector<2048x128xf32>
    %get3A_9 = arith.constant 128 : index
    %get3A_10 = arith.constant 0 : index
    %get3A_11 = vector.load %arg4[%get3A_9, %get3A_10] : memref<384x128xf32, #tpu.memory_space<vmem>>, vector<128x128xf32>
    %dot_general3A_12 = arith.constant dense<0.000000e+00> : vector<2048x128xf32>
    %dot_general3A_13 = tpu.matmul %get3A_8, %get3A_11, %dot_general3A_12 {dimension_numbers = #tpu.dot_dimension_numbers<[1], [0], [0], [1], [0, 0, 1, 1], [], []>, transpose_lhs_hint = false} : vector<2048x128xf32>, vector<128x128xf32>, vector<2048x128xf32> -> vector<2048x128xf32>
    %add3A = arith.addf %dot_general3A_5, %dot_general3A_13 : vector<2048x128xf32>
    %get3A_14 = arith.constant 0 : index
    %get3A_15 = arith.constant 0 : index
    %get3A_16 = vector.load %arg3[%get3A_14, %get3A_15] : memref<2048x128xf32, #tpu.memory_space<vmem>>, vector<2048x128xf32>
    %get3A_17 = arith.constant 256 : index
    %get3A_18 = arith.constant 0 : index
    %get3A_19 = vector.load %arg4[%get3A_17, %get3A_18] : memref<384x128xf32, #tpu.memory_space<vmem>>, vector<128x128xf32>
    %dot_general3A_20 = arith.constant dense<0.000000e+00> : vector<2048x128xf32>
    %dot_general3A_21 = tpu.matmul %get3A_16, %get3A_19, %dot_general3A_20 {dimension_numbers = #tpu.dot_dimension_numbers<[1], [0], [0], [1], [0, 0, 1, 1], [], []>, transpose_lhs_hint = false} : vector<2048x128xf32>, vector<128x128xf32>, vector<2048x128xf32> -> vector<2048x128xf32>
    %add3A_22 = arith.addf %add3A, %dot_general3A_21 : vector<2048x128xf32>
    %get3A_23 = arith.constant 0 : index
    %get3A_24 = arith.constant 0 : index
    %get3A_25 = vector.load %arg5[%get3A_23, %get3A_24] : memref<1x128xf32, #tpu.memory_space<vmem>>, vector<1x128xf32>
    %add3A_26 = vector.broadcast %get3A_25 : vector<1x128xf32> to vector<2048x128xf32>
    %add3A_27 = arith.addf %add3A_22, %add3A_26 : vector<2048x128xf32>
    %max3A = arith.constant 0.000000e+00 : f32
    %max3A_28 = vector.broadcast %max3A : f32 to vector<2048x128xf32>
    %max3A_29 = arith.maximumf %add3A_27, %max3A_28 : vector<2048x128xf32>
    %get3A_30 = arith.constant 0 : index
    %get3A_31 = arith.constant 0 : index
    %get3A_32 = vector.load %arg6[%get3A_30, %get3A_31] : memref<128x1xf32, #tpu.memory_space<vmem>>, vector<128x1xf32>
    %dot_general3A_33 = arith.constant dense<0.000000e+00> : vector<1x2048xf32>
    %dot_general3A_34 = tpu.matmul %get3A_32, %max3A_29, %dot_general3A_33 {dimension_numbers = #tpu.dot_dimension_numbers<[0], [1], [1], [0], [0, 1, 1, 0], [], []>, transpose_lhs_hint = false} : vector<128x1xf32>, vector<2048x128xf32>, vector<1x2048xf32> -> vector<1x2048xf32>
    %get3A_35 = arith.constant 0 : index
    %get3A_36 = memref.load %arg7[%get3A_35] : memref<1xf32, #tpu.memory_space<smem>>
    %add3A_37 = vector.broadcast %get3A_36 : f32 to vector<1x2048xf32>
    %add3A_38 = arith.addf %dot_general3A_34, %add3A_37 : vector<1x2048xf32>
    %swap3A = arith.constant 0 : index
    %swap3A_39 = arith.constant 0 : index
    %swap3A_40 = vector.load %arg8[%swap3A, %swap3A_39] : memref<1x2048xf32, #tpu.memory_space<vmem>>, vector<1x2048xf32>
    tpu.vector_store %arg8[%swap3A, %swap3A_39], %add3A_38 {strides = array<i32>} : memref<1x2048xf32, #tpu.memory_space<vmem>>, vector<1x2048xf32>,
    return
  }
  func.func @transform_0(%arg0: i32) -> (i32, i32) {
    %c0_i32 = arith.constant 0 : i32
    %c0_i32_0 = arith.constant 0 : i32
    return %arg0, %c0_i32 : i32, i32
  }
  func.func @transform_1(%arg0: i32) -> (i32, i32) {
    %c0_i32 = arith.constant 0 : i32
    %c0_i32_0 = arith.constant 0 : i32
    return %arg0, %c0_i32 : i32, i32
  }
  func.func @transform_2(%arg0: i32) -> (i32, i32) {
    %c0_i32 = arith.constant 0 : i32
    %c0_i32_0 = arith.constant 0 : i32
    return %arg0, %c0_i32 : i32, i32
  }
  func.func @transform_3(%arg0: i32) -> (i32, i32) {
    %c0_i32 = arith.constant 0 : i32
    %c0_i32_0 = arith.constant 0 : i32
    %c0_i32_1 = arith.constant 0 : i32
    return %c0_i32, %c0_i32_0 : i32, i32
  }
  func.func @transform_4(%arg0: i32) -> (i32, i32) {
    %c0_i32 = arith.constant 0 : i32
    %c0_i32_0 = arith.constant 0 : i32
    %c0_i32_1 = arith.constant 0 : i32
    return %c0_i32, %c0_i32_0 : i32, i32
  }
  func.func @transform_5(%arg0: i32) -> (i32, i32) {
    %c0_i32 = arith.constant 0 : i32
    %c0_i32_0 = arith.constant 0 : i32
    %c0_i32_1 = arith.constant 0 : i32
    return %c0_i32, %c0_i32_0 : i32, i32
  }
  func.func @transform_6(%arg0: i32) -> i32 {
    %c0_i32 = arith.constant 0 : i32
    %c0_i32_0 = arith.constant 0 : i32
    return %c0_i32 : i32
  }
  func.func @transform_7(%arg0: i32) -> (i32, i32) {
    %c0_i32 = arith.constant 0 : i32
    %c0_i32_0 = arith.constant 0 : i32
    return %c0_i32, %arg0 : i32, i32
  }
}

</mosaic_0001>

<sc_bundles>
// kernel: kernel.4.cloned.1.call-start
scs
__scs_entry_jumppad:
0x0: {  	(pc) =	sbr.rel $0x88, $3  }
0x1: {  	(tag) =	ssettag $0x0;
	lr =	simm.s32 $0x1  }
0x2: {  	[smem:$0x3F98] =	sst lr;
	_ =	strace $0xD0000000  }
0x3: {  	_ = 	snop  }
0x4: {  	_ = 	snop  }
0x5: {  	_ = 	snop  }
0x6: {  	_ = 	snop  }
0x7: {  	_ = 	snop  }
__scs_overlays_trampoline_lowered:
0x8: {  	[smem:$0x3FA7] =	sst s0  }
0x9: {  	[smem:$0x3FA8] =	sst s1  }
0xa: {  	[smem:$0x3FA9] =	sst s2  }
0xb: {  	[smem:$0x3FAA] =	sst s3  }
0xc: {  	[smem:$0x3FAB] =	sst s4  }
0xd: {  	[smem:$0x3FAC] =	sst s5  }
0xe: {  	[smem:$0x3FAD] =	sst s6  }
0xf: {  	[smem:$0x3FAE] =	sst s7  }
0x10: {  	[smem:$0x3FAF] =	sst s8  }
0x11: {  	[smem:$0x3FB0] =	sst s9;
	s0 =	simm.s32 @!p0 $0x0  }
0x12: {  	s1 =	sld [smem:$0x3F96];
	s0 =	simm.s32 @p0 $0x1  }
0x13: {  	[smem:$0x3FB1] =	sst s0;
	s0 =	simm.s32 @!p1 $0x0  }
0x14: {  	s2 =	sld [smem:$0x3F95];
	s0 =	simm.s32 @p1 $0x1  }
0x15: {  	[smem:$0x3FB2] =	sst s0;
	s0 =	simm.s32 @!p2 $0x0  }
0x16: {  	s3 =	sld [smem:$0x3FDB];
	s0 =	simm.s32 @p2 $0x1  }
0x17: {  	s4 =	simm.s32 $0x1BF5;
	[smem:$0x3FB4] =	sst s0  }
0x18: {  	s0 =	sld [smem:$0x3F97];
	_ =	swait.ge [sflag:s4], $0x0  }
0x19: {  	s7 =	sld [smem:$0x3F98]  }
0x1a: {  	s8 =	sadd.s32 $0xFFFFE003, lr  }
0x1b: {  	s9 =	sadd.s32 $0xFFFFFEF7, lr;
	s5 =	simm.s32 $0xFFFFFFFF;
	p2 =	slt.u32 s8, $0xFFFFF086  }
0x1c: {  	p1 =	slt.u32 s9, $0xF7A;
	s5 =	simm.s32 @!p2 $0x0  }
0x1d: {  	s5 =	simm.s32 @p1 $0x1;
	p0 =	seq.s32 s7, s2  }
0x1e: {  	s7 =	smul.u32 @!p0 $0xF7A, s2;
	p2 =	seq.s32 @!p0 s5, $0x0  }
0x1f: {  	s9 =	smul.u32 $0xF7A, s1;
	s8 =	simm.s32 @!p0 $0x1BF5;
	p2 =	por !p2, p0  }
0x20: {  	[sflag:s8] =	ssyncset.s32 @!p0 $0xFFFFF086;
	s6 =	sadd.s32 @!p0 s3, s7;
	s7 =	simm.s32 @!p0 $0x108  }
0x21: {  	s3 =	sadd.s32 s3, s9;
	s6 =	sadd.s32 @!p0 $0x88, s6;
	s7 =	simm.s32 @p2 $0x1082  }
0x22: {  	[simem:s7], [sflag:s8] =	dma.local @!p0 [hbm:s6], $0xF7A  }
0x23: {  	s9 =	sor.u32 $0xD0000000, s2;
	s6 =	simm.s32 $0x108;
	_ =	swait.ge @!p0 [sflag:s8], $0x0  }
0x24: {  	s3 =	sadd.s32 $0x88, s3;
	s6 =	simm.s32 @!p1 $0x1082;
	[sflag:s4] =	ssyncset.s32 $0xFFFFF086  }
0x25: {  	[simem:s6], [sflag:s4] =	dma.local [hbm:s3], $0xF7A  }
0x26: {  	[smem:$0x3F98] =	sst s1;
	(tag) =	ssettag s2;
	_ =	strace s9  }
0x27: {  	s1 =	sld [smem:$0x3FA8]  }
0x28: {  	s2 =	sld [smem:$0x3FA9]  }
0x29: {  	s4 =	sld [smem:$0x3FAB]  }
0x2a: {  	p0 =	seq.s32 s5, $0x0;
	s5 =	sld [smem:$0x3FAC]  }
0x2b: {  	s6 =	sld [smem:$0x3FAD]  }
0x2c: {  	s7 =	sld [smem:$0x3FAE]  }
0x2d: {  	s3 =	simm.s32 $0x108;
	s8 =	sld [smem:$0x3FAF]  }
0x2e: {  	s3 =	simm.s32 @!p0 $0x1082;
	s9 =	sld [smem:$0x3FB0]  }
0x2f: {  	lr =	sadd.s32 s0, s3;
	s0 =	sld [smem:$0x3FA7]  }
0x30: {  	s3 =	sld [smem:$0x3FAA]  }
0x31: {  	[smem:$0x3FB3] =	sst s10  }
0x32: {  	s10 =	sld [smem:$0x3FB1];
	_ =	sdelay $0x3  }
0x33: {  	p0 =	seq.s32 s10, $0x1;
	s10 =	sld [smem:$0x3FB3];
	_ =	sdelay $0x3  }
0x34: {  	[smem:$0x3FB3] =	sst s10  }
0x35: {  	s10 =	sld [smem:$0x3FB2];
	_ =	sdelay $0x3  }
0x36: {  	p1 =	seq.s32 s10, $0x1;
	s10 =	sld [smem:$0x3FB3];
	_ =	sdelay $0x3  }
0x37: {  	[smem:$0x3FB3] =	sst s10  }
0x38: {  	s10 =	sld [smem:$0x3FB4]  }
0x39: {  	_ = 	snop;
	(pc) =	sbr.ind lr, $3  }
0x3a: {  	_ = 	snop  }
0x3b: {  	_ = 	snop  }
0x3c: {  	p2 =	seq.s32 s10, $0x1;
	s10 =	sld [smem:$0x3FB3]  }
0x3d: {  	_ =	shalt  }
0x3e: {  	_ =	shalt  }
0x3f: {  	_ =	shalt  }
0x40: {  	_ =	shalt  }
0x41: {  	_ =	shalt  }
0x42: {  	_ =	shalt  }
0x43: {  	_ =	shalt  }
0x44: {  	_ =	shalt  }
0x45: {  	_ =	shalt  }
0x46: {  	_ =	shalt  }
0x47: {  	_ =	shalt  }
0x48: {  	_ =	shalt  }
0x49: {  	_ =	shalt  }
0x4a: {  	_ =	shalt  }
0x4b: {  	_ =	shalt  }
0x4c: {  	_ =	shalt  }
0x4d: {  	_ =	shalt  }
0x4e: {  	_ =	shalt  }
0x4f: {  	_ =	shalt  }
0x50: {  	_ =	shalt  }
0x51: {  	_ =	shalt  }
0x52: {  	_ =	shalt  }
0x53: {  	_ =	shalt  }
0x54: {  	_ =	shalt  }
0x55: {  	_ =	shalt  }
0x56: {  	_ =	shalt  }
0x57: {  	_ =	shalt  }
0x58: {  	_ =	shalt  }
0x59: {  	_ =	shalt  }
0x5a: {  	_ =	shalt  }
0x5b: {  	_ =	shalt  }
0x5c: {  	_ =	shalt  }
0x5d: {  	_ =	shalt  }
0x5e: {  	_ =	shalt  }
0x5f: {  	_ =	shalt  }
0x60: {  	_ =	shalt  }
0x61: {  	_ =	shalt  }
0x62: {  	_ =	shalt  }
0x63: {  	_ =	shalt  }
0x64: {  	_ =	shalt  }
0x65: {  	_ =	shalt  }
0x66: {  	_ =	shalt  }
0x67: {  	_ =	shalt  }
0x68: {  	_ =	shalt  }
0x69: {  	_ =	shalt  }
0x6a: {  	_ =	shalt  }
0x6b: {  	_ =	shalt  }
0x6c: {  	_ =	shalt  }
0x6d: {  	_ =	shalt  }
0x6e: {  	_ =	shalt  }
0x6f: {  	_ =	shalt  }
0x70: {  	_ =	shalt  }
0x71: {  	_ =	shalt  }
0x72: {  	_ =	shalt  }
0x73: {  	_ =	shalt  }
0x74: {  	_ =	shalt  }
0x75: {  	_ =	shalt  }
0x76: {  	_ =	shalt  }
0x77: {  	_ =	shalt  }
0x78: {  	_ =	shalt  }
0x79: {  	_ =	shalt  }
0x7a: {  	_ =	shalt  }
0x7b: {  	_ =	shalt  }
0x7c: {  	_ =	shalt  }
0x7d: {  	_ =	shalt  }
0x7e: {  	_ =	shalt  }
0x7f: {  	_ =	shalt  }
0x80: {  	_ =	shalt  }
0x81: {  	_ =	shalt  }
0x82: {  	_ =	shalt  }
0x83: {  	_ =	shalt  }
0x84: {  	_ =	shalt  }
0x85: {  	_ =	shalt  }
0x86: {  	_ =	shalt  }
0x87: {  	_ =	shalt  }
.Lfunc_end0:
.L_simem_size_0:
called_computation_lowered:
.L_overlay_start_0:
0x88: {  	s2 =	sld [smem:$0x3FD9]  }
0x89: {  	s3 =	sld [smem:$0x3FFE];
	_ =	sdelay $0x1  }
0x8a: {  	s1 =	srdreg.scid  }
0x8b: {  	s0 =	sand.u32 $0x1, s1  }
0x8c: {  	s17 =	sshll.u32 s0, $0xA;
	s2 =	sadd.s32 s3, s2  }
0x8d: {  	s2 =	sadd.s32 s2, s17  }
0x8e: {  	[smem:$0x3FBF] =	sst s2  }
0x8f: {  	_ = 	snop  }
0x90: {  	s2 =	sld [smem:$0x3FC9]  }
0x91: {  	s18 =	sld [smem:$0x3FC7]  }
0x92: {  	s4 =	sld [smem:$0x3FC6]  }
0x93: {  	s5 =	sld [smem:$0x3FC5]  }
0x94: {  	s6 =	sld [smem:$0x3FD0];
	(tm) =	ssettm $0x1  }
0x95: {  	s7 =	sld [smem:$0x3FFB];
	_ =	sdelay $0x3  }
0x96: {  	_ =	strace s7  }
0x97: {  	s7 =	sld [smem:$0x3FFC];
	_ =	sdelay $0x3  }
0x98: {  	_ =	strace s7  }
0x99: {  	s7 =	sld [smem:$0x3FFD];
	_ =	sdelay $0x3  }
0x9a: {  	_ =	strace s7  }
0x9b: {  	_ =	strace $0x8FFFFFFF  }
0x9c: {  	s19 =	sld [smem:$0x3FDB];
	_ =	sdelay $0x1  }
0x9d: {  	s8 =	simm.s32 $_scs_section_size  }
0x9e: {  	s9 =	simm.s32 $_size__tile_overlayer_lowered;
	s10 =	simm.s32 $_tile_overlayer_lowered  }
0x9f: {  	s22 =	simm.s32 $0x1BFF;
	s21 =	sshll.u32 s10, $0x1;
	s7 =	sadd.s32 s8, s19  }
0xa0: {  	s11 =	simm.s32 $0x0;
	s20 =	sshll.u32 s9, $0x1;
	s9 =	sadd.s32 s21, s7  }
0xa1: {  	[timem:s11], [sflag:s22] =	dma.local [hbm:s9], s20  }
0xa2: {  	_ =	swait.ge [sflag:s22], s20  }
0xa3: {  	s8 =	ssub.s32 $0x0, s20;
	[sflag:s22] =	ssyncset.done $0x0  }
0xa4: {  	[sflag:s22] =	ssyncadd.s32 s8;
	_ =	sdelay $0x1  }
0xa5: {  	s23 =	simm.s32 $0x1B8B  }
0xa6: {  	_ =	swait.ge [sflag:s23], $0x1  }
0xa7: {  	[sflag:s23] =	ssyncset.done $0x0  }
0xa8: {  	s25 =	simm.s32 $0x1B8E;
	s24 =	sld [smem:$0x3FFE];
	[sflag:s23] =	ssyncadd.s32 $0xFFFFFFFF  }
0xa9: {  	s26 =	simm.s32 $execute0_lowered;
	[smem:$0x3FD2] =	sst s25  }
0xaa: {  	s9 =	sshll.u32 s26, $0x1;
	_ =	strace $0x80000046;
	[dreg:$0x1] =	wrdreg $0xFFFFFFFF  }
0xab: {  	s28 =	simm.s32 $_size_execute0_lowered;
	s7 =	sadd.s32 s7, s9;
	[dreg:$0x0] =	wrdreg $0x0  }
0xac: {  	s9 =	sshll.u32 s28, $0x1;
	[dreg:$0x2] =	wrdreg s7  }
0xad: {  	[dreg:$0x3] =	wrdreg s9  }
0xae: {  	[dreg:$0x4] =	wrdreg $0xC0  }
0xaf: {  	_ =	task [dreg:s11], $0x5FFFF  }
0xb0: {  	[dreg:$0x1] =	wrdreg $0xFFFFFFFF  }
0xb1: {  	[dreg:$0x0] =	wrdreg $0x60  }
0xb2: {  	[dreg:$0x2] =	wrdreg s18  }
0xb3: {  	[dreg:$0x3] =	wrdreg s4  }
0xb4: {  	[dreg:$0x4] =	wrdreg s5  }
0xb5: {  	[dreg:$0x5] =	wrdreg s2  }
0xb6: {  	[dreg:$0x6] =	wrdreg s24  }
0xb7: {  	[dreg:$0x7] =	wrdreg s6  }
0xb8: {  	[dreg:$0x8] =	wrdreg $0x186000  }
0xb9: {  	[dreg:$0x9] =	wrdreg $0x1A5400  }
0xba: {  	[dreg:$0xa] =	wrdreg $0x9  }
0xbb: {  	_ =	task.clear_ibuf [dreg:s11], $0xBFFFF;
	_ =	strace $0x90000046  }
0xbc: {  	s29 =	simm.s32 $0x9;
	_ =	strace $0x80000048  }
0xbd: {  	_ =	swait.ge [sflag:s29], $0x1  }
0xbe: {  	[sflag:s29] =	ssyncadd.s32 $0xFFFFFFFF  }
0xbf: {  	_ =	strace $0x90000048  }
0xc0: {  	_ =	sfence  }
0xc1: {  	s30 =	sld [smem:$0x0];
	_ =	sdelay $0x2  }
0xc2: {  	s31 =	sshll.u32 s1, $0xD;
	s1 =	sshrl.u32 s1, $0x2  }
0xc3: {  	s3 =	sand.u32 $0x4000, s31;
	s1 =	sadd.s32 s1, s30  }
0xc4: {  	s0 =	sor.u32 s3, s0;
	s1 =	sshll.u32 s1, $0x11  }
0xc5: {  	s0 =	sor.u32 s1, s0  }
0xc6: {  	s0 =	sadd.s32 $0x8F2B, s0  }
0xc7: {  	[sflag:s0] =	ssyncadd.remote.s32 $0x1  }
0xc8: {  	_ =	sfence.sel $0xFFFF  }
0xc9: {  	[dreg:$0x0] =	wrdreg $0xFFFFFFFF;
	(pc) =	sbr.abs _section_cstart, $3  }
0xca: {  	[dreg:$0x1] =	wrdreg $0xFFFFFFFF  }
0xcb: {  	_ =	task.clear_ibuf [dreg:s11], $0x2FFFF;
	_ =	strace $0x9FFFFFFF  }
0xcc: {  	(tm) =	ssettm $0x7FFFFFFF  }
0xcd: {  	_ =	shalt  }
tec
execute0_lowered:
.L_overlay_start_1:
0x0: {  	(tag) =	ssettag $0x1  }
0x1: {  	s6 =	rddreg [dreg:$0x0]  }
0x2: {  	s0 =	rddreg [dreg:$0x1]  }
0x3: {  	s22 =	rddreg [dreg:$0x2]  }
0x4: {  	s23 =	rddreg [dreg:$0x3]  }
0x5: {  	s4 =	rddreg [dreg:$0x4]  }
0x6: {  	s5 =	rddreg [dreg:$0x5]  }
0x7: {  	s3 =	rddreg [dreg:$0x6]  }
0x8: {  	s1 =	srdreg.scid;
	s2 =	rddreg [dreg:$0x7]  }
0x9: {  	s8 =	stileid.u32;
	s29 =	rddreg [dreg:$0x8];
	s20 =	simm.s32 $0x400  }
0xa: {  	s16 =	simm.s32 $0x100;
	s18 =	simm.s32 $0x1;
	s17 =	simm.s32 $0x2  }
0xb: {  	p1 =	por $0x0, $0x0;
	s19 =	simm.s32 $0x3;
	[dreg:$0x9] =	wrdreg s0  }
0xc: {  	[dreg:$0xa] =	wrdreg s22;
	s7 =	sand.u32 $0x1, s1;
	s9 =	sshll.u32 s8, $0xA  }
0xd: {  	s1 =	simm.s32 $0x0;
	s12 =	sadd.s32 $0x1C00, s4;
	s13 =	sadd.s32 $0x41C00, s4  }
0xe: {  	p0 =	sne.s32 s8, $0x0;
	s8 =	simm.s32 $0x4;
	s22 =	simm.s32 $0x500  }
0xf: {  	s10 =	sshll.u32 s7, $0x9;
	[smem:$0x7FF] =	sst s1;
	s7 =	ssub.s32 $0x2, s7  }
0x10: {  	s28 =	sshrl.u32 @!p0 s3, $0x3;
	s9 =	sor.u32 s10, s9;
	s14 =	sshrl.u32 s7, $0x1  }
0x11: {  	_ =	strace $0x80000047;
	s10 =	sshrl.u32 s9, $0x3;
	s14 =	ssub.s32 s7, s14  }
0x12: {  	s9 =	sshll.u32 s9, $0x4;
	s11 =	sadd.s32 s10, s4;
	s4 =	sadd.s32 $0x81C00, s4  }
0x13: {  	s0 =	sadd.s32 s23, s10;
	s25 =	sadd.s32 s5, s10;
	s26 =	sor.u32 $0x1000, s9  }
0x14: {  	s21 =	sadd.s32 s12, s9;
	s30 =	smax.u32 s14, $0x1;
	s23 =	simm.s32 $0x200  }
0x15: {  	s14 =	simm.s32 $0x600;
	s10 =	simm.s32 $0x10600;
	s31 =	sadd.s32 $0xFFFFFFFF, s30  }
0x16: {  	[dreg:$0xb] =	wrdreg s0;
	s24 =	sadd.s32 $0x1400, s11;
	p2 =	sne.s32 s31, $0x0  }
.Ltmp0:
0x17: {  	[dreg:$0xd] =	wrdreg s25;
	s15 =	sadd.s32 s12, s26;
	(pc) =	sbr.rel @!p2 .LBB2_1-.Ltmp0, $4  }
0x18: {  	s12 =	sadd.s32 s13, s9;
	s7 =	sadd.s32 s13, s26;
	s5 =	sadd.s32 s4, s9  }
0x19: {  	s4 =	sadd.s32 s4, s26;
	s26 =	sshrl.u32 @!p0 s2, $0x3;
	s25 =	simm.s32 $0x7  }
0x1a: {  	s13 =	simm.s32 $0x8600;
	s9 =	simm.s32 $0x5;
	s0 =	rddreg [dreg:$0x9]  }
0x1b: {  	s11 =	simm.s32 $0x6;
	[dreg:$0xc] =	wrdreg s24;
	s24 =	simm.s32 $0x300  }
0x1c: {  	s29 =	simm.s32 @!p0 $0x1C08  }
0x1d: {  	[spmem:s28], [sflag:s29] =	dma.local @!p0 [hbm:s0], $0x3E80  }
0x1e: {  	s0 =	rddreg [dreg:$0xa]  }
0x1f: {  	[spmem:s26], [sflag:s29] =	dma.local @!p0 [hbm:s0], $0x3E80  }
0x20: {  	s0 =	rddreg [dreg:$0xb]  }
0x21: {  	[tilespmem:s1], [sflag:$0x7] =	stream.linear.gather [hbm4b:s0+s1], $0x200, $0x38;
	[tilespmem:$0x1C480] =	vst v63  }
0x22: {  	s30 =	rddreg [dreg:$0xc]  }
0x23: {  	[tilespmem:s23], [sflag:$0x7] =	stream.linear.gather [hbm4b:s30+s1], $0x200, $0x38;
	[tilespmem:$0x1C480] =	vst v63  }
0x24: {  	s0 =	rddreg [dreg:$0xd]  }
0x25: {  	[tilespmem:s20], [sflag:$0x7] =	stream.linear.gather [hbm4b:s0+s1], $0x200, $0x38;
	[tilespmem:$0x1C480] =	vst v63  }
0x26: {  	_ =	swait.ge [sflag:s25], $0x200  }
0x27: {  	[sflag:s25] =	ssyncset.done $0x0  }
0x28: {  	[sflag:s25] =	ssyncadd.s32 $0xFFFFFE00  }
0x29: {  	_ =	swait.ge [sflag:s25], $0x200  }
0x2a: {  	[sflag:s25] =	ssyncset.done $0x0  }
0x2b: {  	[sflag:s25] =	ssyncadd.s32 $0xFFFFFE00  }
0x2c: {  	_ =	swait.ge [sflag:s25], $0x200  }
0x2d: {  	[sflag:s25] =	ssyncset.done $0x0  }
0x2e: {  	[sflag:s25] =	ssyncadd.s32 $0xFFFFFE00  }
0x2f: {  	[tilespmem:s14], [sflag:$0x1] =	stream.indirect.gather [hbm4b:s6+s16], $0x80, s1, s16, $0xb8;
	[tilespmem:$0x1C480] =	vst v63  }
0x30: {  	s30 =	simm.s32 @!p0 $0x8  }
0x31: {  	[tilespmem:s13], [sflag:$0x2] =	stream.indirect.gather [hbm4b:s6+s16], $0x80, s16, s16, $0xb8;
	[tilespmem:$0x1C480] =	vst v63  }
0x32: {  	_ =	swait.ge @!p0 [sflag:s30], $0x3E80  }
0x33: {  	[sflag:s30] =	ssyncset.done @!p0 $0x0  }
0x34: {  	[sflag:s30] =	ssyncadd.s32 @!p0 $0xFFFFC180  }
0x35: {  	_ =	swait.ge @!p0 [sflag:s30], $0x3E80  }
0x36: {  	[sflag:s30] =	ssyncset.done @!p0 $0x0  }
0x37: {  	[sflag:s30] =	ssyncadd.s32 @!p0 $0xFFFFC180  }
0x38: {  	[bflag:$0x0] =	sbarrier.arrive $0xFFFF  }
0x39: {  	[tilespmem:s10], [sflag:$0x3] =	stream.indirect.gather [spmem:s3], $0x80, s23, s16, $0xb8;
	[tilespmem:$0x1C480] =	vst v63  }
0x3a: {  	_ =	swait.ge [sflag:s18], $0x8000  }
0x3b: {  	[sflag:s18] =	ssyncset.done $0x0  }
0x3c: {  	[sflag:s18] =	ssyncadd.s32 $0xFFFF8000  }
0x3d: {  	[hbm4b:s21+s1] =	stream.linear.scatter [tilespmem:s14], [sflag:$0x4], $0x8000, $0x38;
	[tilespmem:$0x1C480] =	vst v63  }
0x3e: {  	_ =	swait.ge [sflag:s8], $0x8000  }
0x3f: {  	[sflag:s8] =	ssyncset.done $0x0  }
0x40: {  	[sflag:s8] =	ssyncadd.s32 $0xFFFF8000  }
0x41: {  	[tilespmem:s14], [sflag:$0x1] =	stream.indirect.gather [spmem:s3], $0x80, s24, s16, $0xb8;
	[tilespmem:$0x1C480] =	vst v63  }
0x42: {  	_ =	swait.ge [sflag:s17], $0x8000  }
0x43: {  	[sflag:s17] =	ssyncset.done $0x0  }
0x44: {  	[sflag:s17] =	ssyncadd.s32 $0xFFFF8000  }
0x45: {  	[hbm4b:s15+s1] =	stream.linear.scatter [tilespmem:s13], [sflag:$0x5], $0x8000, $0x38;
	[tilespmem:$0x1C480] =	vst v63  }
0x46: {  	_ =	swait.ge [sflag:s9], $0x8000  }
0x47: {  	[sflag:s9] =	ssyncset.done $0x0  }
0x48: {  	[sflag:s9] =	ssyncadd.s32 $0xFFFF8000  }
0x49: {  	[tilespmem:s13], [sflag:$0x2] =	stream.indirect.gather [spmem:s2], $0x80, s20, s16, $0xb8;
	[tilespmem:$0x1C480] =	vst v63  }
0x4a: {  	_ =	swait.ge [sflag:s19], $0x8000  }
0x4b: {  	[sflag:s19] =	ssyncset.done $0x0  }
0x4c: {  	[sflag:s19] =	ssyncadd.s32 $0xFFFF8000  }
0x4d: {  	[hbm4b:s12+s1] =	stream.linear.scatter [tilespmem:s10], [sflag:$0x6], $0x8000, $0x38;
	[tilespmem:$0x1C480] =	vst v63  }
0x4e: {  	_ =	swait.ge [sflag:s11], $0x8000  }
0x4f: {  	[sflag:s11] =	ssyncset.done $0x0  }
0x50: {  	[sflag:s11] =	ssyncadd.s32 $0xFFFF8000  }
0x51: {  	[tilespmem:s10], [sflag:$0x3] =	stream.indirect.gather [spmem:s2], $0x80, s22, s16, $0xb8;
	[tilespmem:$0x1C480] =	vst v63  }
0x52: {  	_ =	swait.ge [sflag:s18], $0x8000  }
0x53: {  	[sflag:s18] =	ssyncset.done $0x0  }
0x54: {  	[sflag:s18] =	ssyncadd.s32 $0xFFFF8000  }
0x55: {  	[hbm4b:s7+s1] =	stream.linear.scatter [tilespmem:s14], [sflag:$0x4], $0x8000, $0x38;
	[tilespmem:$0x1C480] =	vst v63  }
0x56: {  	_ =	swait.ge [sflag:s17], $0x8000  }
0x57: {  	[sflag:s17] =	ssyncset.done $0x0  }
0x58: {  	[sflag:s17] =	ssyncadd.s32 $0xFFFF8000  }
0x59: {  	[hbm4b:s5+s1] =	stream.linear.scatter [tilespmem:s13], [sflag:$0x5], $0x8000, $0x38;
	[tilespmem:$0x1C480] =	vst v63  }
0x5a: {  	_ =	swait.ge [sflag:s19], $0x8000  }
0x5b: {  	[sflag:s19] =	ssyncset.done $0x0  }
0x5c: {  	[sflag:s19] =	ssyncadd.s32 $0xFFFF8000  }
0x5d: {  	[hbm4b:s4+s1] =	stream.linear.scatter [tilespmem:s10], [sflag:$0x6], $0x8000, $0x38;
	[tilespmem:$0x1C480] =	vst v63  }
0x5e: {  	_ =	swait.ge [sflag:s8], $0x8000  }
0x5f: {  	s31 =	sadd.s32 $0xFFFFFFFF, s31;
	[sflag:s8] =	ssyncset.done $0x0  }
0x60: {  	p2 =	sne.s32 s31, $0x0;
	[sflag:s8] =	ssyncadd.s32 $0xFFFF8000  }
.Ltmp1:
0x61: {  	_ =	swait.ge [sflag:s9], $0x8000;
	(pc) =	sbr.rel @!p2 .LBB2_3-.Ltmp1, $4  }
0x62: {  	[sflag:s9] =	ssyncset.done $0x0  }
0x63: {  	[sflag:s9] =	ssyncadd.s32 $0xFFFF8000  }
0x64: {  	_ =	swait.ge [sflag:s11], $0x8000  }
0x65: {  	p1 =	por $0x1, $0x1;
	s0 =	rddreg [dreg:$0x9];
	[sflag:s11] =	ssyncset.done $0x0  }
.LBB2_4:
0x66: {  	[sflag:s11] =	ssyncadd.s32 $0xFFFF8000  }
0x67: {  	[spmem:s28], [sflag:s29] =	dma.local @!p0 [hbm:s0], $0x3E80  }
0x68: {  	s0 =	rddreg [dreg:$0xa]  }
0x69: {  	[spmem:s26], [sflag:s29] =	dma.local @!p0 [hbm:s0], $0x3E80  }
0x6a: {  	s0 =	rddreg [dreg:$0xb]  }
0x6b: {  	[tilespmem:s1], [sflag:$0x7] =	stream.linear.gather [hbm4b:s0+s1], $0x200, $0x38;
	[tilespmem:$0x1C480] =	vst v63  }
0x6c: {  	s22 =	rddreg [dreg:$0xc]  }
0x6d: {  	[tilespmem:s23], [sflag:$0x7] =	stream.linear.gather [hbm4b:s22+s1], $0x200, $0x38;
	[tilespmem:$0x1C480] =	vst v63  }
0x6e: {  	s0 =	rddreg [dreg:$0xd]  }
0x6f: {  	[tilespmem:s20], [sflag:$0x7] =	stream.linear.gather [hbm4b:s0+s1], $0x200, $0x38;
	[tilespmem:$0x1C480] =	vst v63  }
0x70: {  	_ =	swait.ge [sflag:s25], $0x200  }
0x71: {  	[sflag:s25] =	ssyncset.done $0x0  }
0x72: {  	[sflag:s25] =	ssyncadd.s32 $0xFFFFFE00  }
0x73: {  	_ =	swait.ge [sflag:s25], $0x200  }
0x74: {  	[sflag:s25] =	ssyncset.done $0x0  }
0x75: {  	[sflag:s25] =	ssyncadd.s32 $0xFFFFFE00  }
0x76: {  	_ =	swait.ge [sflag:s25], $0x200  }
0x77: {  	[sflag:s25] =	ssyncset.done $0x0  }
0x78: {  	[sflag:s25] =	ssyncadd.s32 $0xFFFFFE00  }
0x79: {  	[tilespmem:s14], [sflag:$0x1] =	stream.indirect.gather [hbm4b:s6+s16], $0x80, s1, s16, $0xb8;
	[tilespmem:$0x1C480] =	vst v63  }
0x7a: {  	_ = 	snop  }
0x7b: {  	[tilespmem:s13], [sflag:$0x2] =	stream.indirect.gather [hbm4b:s6+s16], $0x80, s16, s16, $0xb8;
	[tilespmem:$0x1C480] =	vst v63  }
0x7c: {  	_ =	swait.ge @!p0 [sflag:s30], $0x3E80  }
0x7d: {  	[sflag:s30] =	ssyncset.done @!p0 $0x0  }
0x7e: {  	[sflag:s30] =	ssyncadd.s32 @!p0 $0xFFFFC180  }
0x7f: {  	_ =	swait.ge @!p0 [sflag:s30], $0x3E80  }
0x80: {  	[sflag:s30] =	ssyncset.done @!p0 $0x0  }
0x81: {  	[sflag:s30] =	ssyncadd.s32 @!p0 $0xFFFFC180  }
0x82: {  	[bflag:$0x0] =	sbarrier.arrive $0xFFFF  }
0x83: {  	[tilespmem:s10], [sflag:$0x3] =	stream.indirect.gather [spmem:s3], $0x80, s23, s16, $0xb8;
	[tilespmem:$0x1C480] =	vst v63  }
0x84: {  	_ =	swait.ge [sflag:s18], $0x8000  }
0x85: {  	[sflag:s18] =	ssyncset.done $0x0  }
0x86: {  	[sflag:s18] =	ssyncadd.s32 $0xFFFF8000  }
0x87: {  	[hbm4b:s21+s1] =	stream.linear.scatter [tilespmem:s14], [sflag:$0x4], $0x8000, $0x38;
	[tilespmem:$0x1C480] =	vst v63  }
0x88: {  	_ =	swait.ge [sflag:s8], $0x8000  }
0x89: {  	[sflag:s8] =	ssyncset.done $0x0  }
0x8a: {  	[sflag:s8] =	ssyncadd.s32 $0xFFFF8000  }
0x8b: {  	[tilespmem:s14], [sflag:$0x1] =	stream.indirect.gather [spmem:s3], $0x80, s24, s16, $0xb8;
	[tilespmem:$0x1C480] =	vst v63  }
0x8c: {  	_ =	swait.ge [sflag:s17], $0x8000  }
0x8d: {  	[sflag:s17] =	ssyncset.done $0x0  }
0x8e: {  	[sflag:s17] =	ssyncadd.s32 $0xFFFF8000  }
0x8f: {  	[hbm4b:s15+s1] =	stream.linear.scatter [tilespmem:s13], [sflag:$0x5], $0x8000, $0x38;
	[tilespmem:$0x1C480] =	vst v63  }
0x90: {  	_ =	swait.ge [sflag:s9], $0x8000  }
0x91: {  	[sflag:s9] =	ssyncset.done $0x0  }
0x92: {  	[sflag:s9] =	ssyncadd.s32 $0xFFFF8000  }
0x93: {  	[tilespmem:s13], [sflag:$0x2] =	stream.indirect.gather [spmem:s2], $0x80, s20, s16, $0xb8;
	[tilespmem:$0x1C480] =	vst v63  }
0x94: {  	_ =	swait.ge [sflag:s19], $0x8000  }
0x95: {  	[sflag:s19] =	ssyncset.done $0x0  }
0x96: {  	[sflag:s19] =	ssyncadd.s32 $0xFFFF8000  }
0x97: {  	[hbm4b:s12+s1] =	stream.linear.scatter [tilespmem:s10], [sflag:$0x6], $0x8000, $0x38;
	[tilespmem:$0x1C480] =	vst v63  }
0x98: {  	_ =	swait.ge [sflag:s11], $0x8000  }
0x99: {  	[sflag:s11] =	ssyncset.done $0x0  }
0x9a: {  	s22 =	simm.s32 $0x500;
	[sflag:s11] =	ssyncadd.s32 $0xFFFF8000  }
0x9b: {  	[tilespmem:s10], [sflag:$0x3] =	stream.indirect.gather [spmem:s2], $0x80, s22, s16, $0xb8;
	[tilespmem:$0x1C480] =	vst v63  }
0x9c: {  	_ =	swait.ge [sflag:s18], $0x8000  }
0x9d: {  	[sflag:s18] =	ssyncset.done $0x0  }
0x9e: {  	[sflag:s18] =	ssyncadd.s32 $0xFFFF8000  }
0x9f: {  	[hbm4b:s7+s1] =	stream.linear.scatter [tilespmem:s14], [sflag:$0x4], $0x8000, $0x38;
	[tilespmem:$0x1C480] =	vst v63  }
0xa0: {  	_ =	swait.ge [sflag:s17], $0x8000  }
0xa1: {  	[sflag:s17] =	ssyncset.done $0x0  }
0xa2: {  	[sflag:s17] =	ssyncadd.s32 $0xFFFF8000  }
0xa3: {  	[hbm4b:s5+s1] =	stream.linear.scatter [tilespmem:s13], [sflag:$0x5], $0x8000, $0x38;
	[tilespmem:$0x1C480] =	vst v63  }
0xa4: {  	_ =	swait.ge [sflag:s19], $0x8000  }
0xa5: {  	[sflag:s19] =	ssyncset.done $0x0  }
0xa6: {  	[sflag:s19] =	ssyncadd.s32 $0xFFFF8000  }
0xa7: {  	[hbm4b:s4+s1] =	stream.linear.scatter [tilespmem:s10], [sflag:$0x6], $0x8000, $0x38;
	[tilespmem:$0x1C480] =	vst v63  }
0xa8: {  	_ =	swait.ge [sflag:s8], $0x8000  }
0xa9: {  	s31 =	sadd.s32 $0xFFFFFFFF, s31;
	[sflag:s8] =	ssyncset.done $0x0  }
0xaa: {  	p2 =	sne.s32 s31, $0x0;
	[sflag:s8] =	ssyncadd.s32 $0xFFFF8000  }
.Ltmp2:
0xab: {  	_ =	swait.ge [sflag:s9], $0x8000;
	(pc) =	sbr.rel @p2 .LBB2_4-.Ltmp2, $4  }
0xac: {  	[sflag:s9] =	ssyncset.done $0x0  }
0xad: {  	[sflag:s9] =	ssyncadd.s32 $0xFFFF8000  }
0xae: {  	_ =	swait.ge [sflag:s11], $0x8000  }
0xaf: {  	s0 =	rddreg [dreg:$0x9];
	[sflag:s11] =	ssyncset.done $0x0  }
0xb0: {  	s30 =	simm.s32 $0x500;
	s29 =	rddreg [dreg:$0x8]  }
.LBB2_6:
0xb1: {  	[sflag:s11] =	ssyncadd.s32 @p1 $0xFFFF8000;
	s22 =	simm.s32 @!p0 $0x1C08  }
0xb2: {  	[spmem:s28], [sflag:s22] =	dma.local @!p0 [hbm:s0], $0x3E80  }
0xb3: {  	s0 =	rddreg [dreg:$0xa]  }
0xb4: {  	[spmem:s26], [sflag:s22] =	dma.local @!p0 [hbm:s0], $0x3E80  }
0xb5: {  	s0 =	rddreg [dreg:$0xb]  }
0xb6: {  	[tilespmem:s1], [sflag:$0x7] =	stream.linear.gather [hbm4b:s0+s1], $0x200, $0x38;
	[tilespmem:$0x1C480] =	vst v63  }
0xb7: {  	s22 =	rddreg [dreg:$0xc]  }
0xb8: {  	[tilespmem:s23], [sflag:$0x7] =	stream.linear.gather [hbm4b:s22+s1], $0x200, $0x38;
	[tilespmem:$0x1C480] =	vst v63  }
0xb9: {  	s31 =	rddreg [dreg:$0xd]  }
0xba: {  	[tilespmem:s20], [sflag:$0x7] =	stream.linear.gather [hbm4b:s31+s1], $0x200, $0x38;
	[tilespmem:$0x1C480] =	vst v63  }
0xbb: {  	_ =	swait.ge [sflag:s25], $0x200  }
0xbc: {  	[sflag:s25] =	ssyncset.done $0x0  }
0xbd: {  	[sflag:s25] =	ssyncadd.s32 $0xFFFFFE00  }
0xbe: {  	_ =	swait.ge [sflag:s25], $0x200  }
0xbf: {  	[sflag:s25] =	ssyncset.done $0x0  }
0xc0: {  	[sflag:s25] =	ssyncadd.s32 $0xFFFFFE00  }
0xc1: {  	_ =	swait.ge [sflag:s25], $0x200  }
0xc2: {  	[sflag:s25] =	ssyncset.done $0x0  }
0xc3: {  	[sflag:s25] =	ssyncadd.s32 $0xFFFFFE00  }
0xc4: {  	[tilespmem:s14], [sflag:$0x1] =	stream.indirect.gather [hbm4b:s6+s16], $0x80, s1, s16, $0xb8;
	[tilespmem:$0x1C480] =	vst v63  }
0xc5: {  	s0 =	simm.s32 @!p0 $0x8  }
0xc6: {  	[tilespmem:s13], [sflag:$0x2] =	stream.indirect.gather [hbm4b:s6+s16], $0x80, s16, s16, $0xb8;
	[tilespmem:$0x1C480] =	vst v63  }
0xc7: {  	_ =	swait.ge @!p0 [sflag:s0], $0x3E80  }
0xc8: {  	[sflag:s0] =	ssyncset.done @!p0 $0x0  }
0xc9: {  	[sflag:s0] =	ssyncadd.s32 @!p0 $0xFFFFC180  }
0xca: {  	_ =	swait.ge @!p0 [sflag:s0], $0x3E80  }
0xcb: {  	[sflag:s0] =	ssyncset.done @!p0 $0x0  }
0xcc: {  	[sflag:s0] =	ssyncadd.s32 @!p0 $0xFFFFC180  }
0xcd: {  	[bflag:$0x0] =	sbarrier.arrive $0xFFFF  }
0xce: {  	[tilespmem:s10], [sflag:$0x3] =	stream.indirect.gather [spmem:s3], $0x80, s23, s16, $0xb8;
	[tilespmem:$0x1C480] =	vst v63  }
0xcf: {  	_ =	swait.ge [sflag:s18], $0x8000  }
0xd0: {  	[sflag:s18] =	ssyncset.done $0x0  }
0xd1: {  	[sflag:s18] =	ssyncadd.s32 $0xFFFF8000  }
0xd2: {  	[hbm4b:s21+s1] =	stream.linear.scatter [tilespmem:s14], [sflag:$0x4], $0x8000, $0x38;
	[tilespmem:$0x1C480] =	vst v63  }
0xd3: {  	_ =	swait.ge [sflag:s8], $0x8000  }
0xd4: {  	[sflag:s8] =	ssyncset.done $0x0  }
0xd5: {  	[sflag:s8] =	ssyncadd.s32 $0xFFFF8000  }
0xd6: {  	[tilespmem:s14], [sflag:$0x1] =	stream.indirect.gather [spmem:s3], $0x80, s24, s16, $0xb8;
	[tilespmem:$0x1C480] =	vst v63  }
0xd7: {  	_ =	swait.ge [sflag:s17], $0x8000  }
0xd8: {  	[sflag:s17] =	ssyncset.done $0x0  }
0xd9: {  	[sflag:s17] =	ssyncadd.s32 $0xFFFF8000  }
0xda: {  	[hbm4b:s15+s1] =	stream.linear.scatter [tilespmem:s13], [sflag:$0x5], $0x8000, $0x38;
	[tilespmem:$0x1C480] =	vst v63  }
0xdb: {  	_ =	swait.ge [sflag:s9], $0x8000  }
0xdc: {  	[sflag:s9] =	ssyncset.done $0x0  }
0xdd: {  	[sflag:s9] =	ssyncadd.s32 $0xFFFF8000  }
0xde: {  	[tilespmem:s13], [sflag:$0x2] =	stream.indirect.gather [spmem:s2], $0x80, s20, s16, $0xb8;
	[tilespmem:$0x1C480] =	vst v63  }
0xdf: {  	_ =	swait.ge [sflag:s19], $0x8000  }
0xe0: {  	[sflag:s19] =	ssyncset.done $0x0  }
0xe1: {  	[sflag:s19] =	ssyncadd.s32 $0xFFFF8000  }
0xe2: {  	[hbm4b:s12+s1] =	stream.linear.scatter [tilespmem:s10], [sflag:$0x6], $0x8000, $0x38;
	[tilespmem:$0x1C480] =	vst v63  }
0xe3: {  	_ =	swait.ge [sflag:s11], $0x8000  }
0xe4: {  	[sflag:s11] =	ssyncset.done $0x0  }
0xe5: {  	[sflag:s11] =	ssyncadd.s32 $0xFFFF8000  }
0xe6: {  	[tilespmem:s10], [sflag:$0x3] =	stream.indirect.gather [spmem:s2], $0x80, s30, s16, $0xb8;
	[tilespmem:$0x1C480] =	vst v63  }
0xe7: {  	_ =	swait.ge [sflag:s18], $0x8000  }
0xe8: {  	[sflag:s18] =	ssyncset.done $0x0  }
0xe9: {  	[sflag:s18] =	ssyncadd.s32 $0xFFFF8000  }
0xea: {  	[hbm4b:s7+s1] =	stream.linear.scatter [tilespmem:s14], [sflag:$0x4], $0x8000, $0x38;
	[tilespmem:$0x1C480] =	vst v63  }
0xeb: {  	_ =	swait.ge [sflag:s17], $0x8000  }
0xec: {  	[sflag:s17] =	ssyncset.done $0x0  }
0xed: {  	[sflag:s17] =	ssyncadd.s32 $0xFFFF8000  }
0xee: {  	[hbm4b:s5+s1] =	stream.linear.scatter [tilespmem:s13], [sflag:$0x5], $0x8000, $0x38;
	[tilespmem:$0x1C480] =	vst v63  }
0xef: {  	_ =	swait.ge [sflag:s19], $0x8000  }
0xf0: {  	[sflag:s19] =	ssyncset.done $0x0  }
0xf1: {  	[sflag:s19] =	ssyncadd.s32 $0xFFFF8000  }
0xf2: {  	[hbm4b:s4+s1] =	stream.linear.scatter [tilespmem:s10], [sflag:$0x6], $0x8000, $0x38;
	[tilespmem:$0x1C480] =	vst v63  }
0xf3: {  	_ =	swait.ge [sflag:s8], $0x8000  }
0xf4: {  	[sflag:s8] =	ssyncset.done $0x0  }
0xf5: {  	[sflag:s8] =	ssyncadd.s32 $0xFFFF8000  }
0xf6: {  	_ =	swait.ge [sflag:s9], $0x8000  }
0xf7: {  	[sflag:s9] =	ssyncset.done $0x0  }
0xf8: {  	[sflag:s9] =	ssyncadd.s32 $0xFFFF8000  }
0xf9: {  	_ =	swait.ge [sflag:s11], $0x8000  }
0xfa: {  	[sflag:s11] =	ssyncset.done $0x0  }
0xfb: {  	[sflag:s11] =	ssyncadd.s32 $0xFFFF8000  }
0xfc: {  	_ =	sfence.sel $0x180000  }
0xfd: {  	[bflag:$0x0] =	sbarrier.arrive $0xFFFF  }
0xfe: {  	_ =	strace $0x90000047  }
0xff: {  	s0 =	sadd.s32 @!p0 $0x100000, s29;
	[bflag:$0x2] =	sbarrier.arrive $0xFFFF  }
0x100: {  	[sflag:s0] =	ssyncadd.tile.s32 @!p0 $0x1;
	_ =	shalt  }
.LBB2_1:
.Ltmp3:
0x101: {  	(pc) =	sbr.rel .LBB2_6-.Ltmp3, $2  }
0x102: {  	_ =	sdelay $0x2  }
0x103: {  	s30 =	simm.s32 $0x500  }
.LBB2_3:
.Ltmp4:
0x104: {  	(pc) =	sbr.rel .LBB2_6-.Ltmp4, $2  }
0x105: {  	_ =	sdelay $0x2  }
0x106: {  	s30 =	simm.s32 $0x500;
	s29 =	rddreg [dreg:$0x8]  }
.Lfunc_end2:
_tile_overlayer_lowered:
.L_overlay_start_2:
0x107: {  	(tag) =	ssettag $0x2  }
0x108: {  	s0 =	rddreg [dreg:$0x0];
	s2 =	stileid.u32  }
0x109: {  	s1 =	rddreg [dreg:$0x1];
	p0 =	sne.s32 s2, $0x0  }
0x10a: {  	s3 =	rddreg [dreg:$0x2];
	[bflag:$0x3] =	sbarrier.arrive $0xFFFF;
	s2 =	simm.s32 @!p0 $0x1C09  }
0x10b: {  	[timem:s3], [sflag:s2] =	dma.local @!p0 [hbm:s0], s1  }
0x10c: {  	s0 =	simm.s32 @!p0 $0x9  }
0x10d: {  	_ =	swait.ge @!p0 [sflag:s0], s1  }
0x10e: {  	s1 =	ssub.s32 @!p0 $0x0, s1;
	[sflag:s0] =	ssyncset.done @!p0 $0x0  }
0x10f: {  	[sflag:s0] =	ssyncadd.s32 @!p0 s1  }
0x110: {  	[bflag:$0x3] =	sbarrier.arrive $0xFFFF  }
0x111: {  	_ =	shalt  }

</sc_bundles>
